<compile_context>
chip_gen: v7x
topology: tpu7x:2x2x1
jax: 0.10.2.dev20260603
libtpu: 0.0.44.dev20260713+nightly
codegen_flags: <defaults>
</compile_context>

<pallas_src>
import functools

import jax
import jax.numpy as jnp
from jax import lax
from jax.experimental import pallas as pl
from jax.experimental.pallas import tpu as pltpu
from jax.experimental.pallas import tpu_sc as plsc

_S = 1024
_K = 32
_SB = 128
_SBLK = 128
_PAD = 128



def _fps_body(xr_ref, out_ref):
    b = xr_ref.shape[0]
    xyz = xr_ref[...].reshape(b * 24, 1024)
    rows = lax.broadcasted_iota(jnp.int32, (8, 1024), 0)
    cols = lax.broadcasted_iota(jnp.int32, (8, 1024), 1)
    lin = rows * 1024 + cols
    lin24 = jnp.broadcast_to(lin, (b * 3, 8, 1024)).reshape(b * 24, 1024)
    lin8 = jnp.broadcast_to(lin, (b, 8, 1024)).reshape(b * 8, 1024)
    rows_s = lax.broadcasted_iota(jnp.int32, (8, 128), 0)
    cols_s = lax.broadcasted_iota(jnp.int32, (8, 128), 1)
    lin_s = jnp.broadcast_to(rows_s * 128 + cols_s, (b, 8, 128)).reshape(
        b * 8, 128)
    big_f = jnp.float32(3.0e38)
    big_i = jnp.int32(2 ** 30)

    def body(t, carry):
        last, dist, acc = carry
        last24 = jnp.broadcast_to(last, (b, 24, 1)).reshape(b * 24, 1)
        ps = jnp.sum(jnp.where(lin24 == last24, xyz, 0.0), axis=1, keepdims=True)
        p = jnp.broadcast_to(
            jnp.sum(ps.reshape(b * 3, 8, 1), axis=1, keepdims=True), (b * 3, 8, 1)
        ).reshape(b * 24, 1)
        d24 = (xyz - p) ** 2
        d = ((d24.reshape(b, 3, 8, 1024)[:, 0] + d24.reshape(b, 3, 8, 1024)[:, 1])
             + d24.reshape(b, 3, 8, 1024)[:, 2]).reshape(b * 8, 1024)
        dist = jnp.minimum(dist, d)
        m1 = jnp.max(dist, axis=1, keepdims=True).reshape(b, 8, 1)
        m = jnp.broadcast_to(jnp.max(m1, axis=1, keepdims=True), (b, 8, 1)
                             ).reshape(b * 8, 1)
        cand = jnp.where(dist == m, lin8, big_i)
        n1 = jnp.min(cand, axis=1, keepdims=True).reshape(b, 8, 1)
        nxt = jnp.min(n1, axis=1, keepdims=True)
        nxt8 = jnp.broadcast_to(nxt, (b, 8, 1)).reshape(b * 8, 1)
        acc = jnp.where(lin_s == t, nxt8, acc)
        return nxt, dist, acc

    del big_f
    dist0 = jnp.full((b * 8, 1024), 1e10, jnp.float32)
    acc0 = jnp.zeros((b * 8, 128), jnp.int32)
    _, _, acc = lax.fori_loop(
        1, _S, body, (jnp.zeros((b, 1, 1), jnp.int32), dist0, acc0))
    out_ref[...] = acc.reshape(b, 8, 128)



def _knn_body(xt_ref, q_ref, out_ref, d2_ref, cm_ref):
    xm = xt_ref[0]
    q = q_ref[0]
    n = xm.shape[-1]
    ng = n // 128
    xsq = jnp.sum(xm * xm, axis=0, keepdims=True)
    qsq = jnp.sum(q * q, axis=1, keepdims=True)
    prod = lax.dot_general(q, xm, (((1,), (0,)), ((), ())),
                           preferred_element_type=jnp.float32)
    d2_ref[...] = ((qsq - 2.0 * prod) + xsq).reshape(_SB, ng, 128)
    cm_ref[...] = jnp.min(d2_ref[...], axis=2)

    giota = lax.broadcasted_iota(jnp.int32, (_SB, ng), 1)
    giota3 = lax.broadcasted_iota(jnp.int32, (_SB, ng, 1), 1)
    lane = lax.broadcasted_iota(jnp.int32, (_SB, 128), 1)
    kcol = lax.broadcasted_iota(jnp.int32, (_SB, _K), 1)
    big_f = jnp.float32(3.0e38)
    big_i = jnp.int32(2 ** 30)

    def body(t, carry):
        wm_v, wm_i = carry
        cm = cm_ref[...]
        m1 = jnp.min(cm, axis=1, keepdims=True)
        cstar = jnp.min(jnp.where(cm == m1, giota, big_i),
                        axis=1, keepdims=True)
        ext = jnp.sum(jnp.where(giota3 == cstar[:, :, None], d2_ref[...], 0.0),
                      axis=1)
        absid = cstar * 128 + lane
        taken = (ext < wm_v) | ((ext == wm_v) & (absid <= wm_i))
        exte = jnp.where(taken, big_f, ext)
        lsel = jnp.min(jnp.where(exte == m1, lane, big_i),
                       axis=1, keepdims=True)
        nxt = cstar * 128 + lsel
        out_ref[0] = jnp.where(kcol == t, nxt, out_ref[0])
        newmin = jnp.min(jnp.where(lane == lsel, big_f, exte),
                         axis=1, keepdims=True)
        cm_ref[...] = jnp.where(giota == cstar, newmin, cm)
        return m1, nxt

    lax.fori_loop(0, _K, body,
                  (jnp.full((_SB, 1), -big_f, jnp.float32),
                   jnp.full((_SB, 1), -1, jnp.int32)))



def _make_sc_gather(n_rows, width):
    info = plsc.get_sparse_core_info()
    nc, ns = info.num_cores, info.num_subcores
    nw = nc * ns
    per_w = n_rows // nw
    chunk = 128
    n_chunks = per_w // chunk
    mesh = plsc.VectorSubcoreMesh(core_axis_name="c", subcore_axis_name="s")

    @functools.partial(
        pl.kernel, mesh=mesh,
        out_type=jax.ShapeDtypeStruct((n_rows, width), jnp.float32),
        scratch_types=[
            pltpu.VMEM((chunk,), jnp.int32),
            pltpu.VMEM((chunk, width), jnp.float32),
            pltpu.SemaphoreType.DMA,
        ],
    )
    def gather(tbl_hbm, idx_hbm, out_hbm, idx_v, rows_v, sem):
        wid = lax.axis_index("s") * nc + lax.axis_index("c")
        w_base = wid * per_w

        def body(i, carry):
            base = pl.multiple_of(w_base + i * chunk, 8)
            pltpu.sync_copy(idx_hbm.at[pl.ds(base, chunk)], idx_v)
            pltpu.async_copy(tbl_hbm.at[idx_v], rows_v, sem).wait()
            pltpu.sync_copy(rows_v, out_hbm.at[pl.ds(base, chunk)])
            return carry

        lax.fori_loop(0, n_chunks, body, 0)

    return gather



def _stats_body(g_ref, ps_ref):
    g = g_ref[0]
    mean = jnp.mean(g, axis=1, keepdims=True)
    cen = g - mean
    s = jnp.sum(cen * cen)
    ps_ref[0, 0] = jnp.broadcast_to(s, (128,))


def _final_body(g_ref, nc_ref, ps_ref, a_ref, b_ref, out_ref):
    g = g_ref[0]
    mean = jnp.mean(g, axis=1, keepdims=True)
    cen = g - mean
    tot = jnp.sum(ps_ref[...]) * (1.0 / 128.0)
    denom = jnp.sqrt(tot / jnp.float32(_S * _K * 67 - 1)) + 1e-5
    gp = (cen / denom) * a_ref[...] + b_ref[...]
    rep = nc_ref[0][:, :64]
    out_ref[0, :, :, 0:67] = gp[:, :, 0:67]
    out_ref[0, :, :, 67:131] = jnp.broadcast_to(rep[:, None, :], (_SBLK, _K, 64))



def kernel(xyz, points, affine_alpha, affine_beta):
    B, N, _ = xyz.shape
    D = points.shape[-1]
    nblk = _S // _SBLK

    xr = xyz.transpose(0, 2, 1).reshape(B, 3, N // 1024, 1024)
    fps8 = pl.pallas_call(
        _fps_body,
        grid=(1,),
        in_specs=[pl.BlockSpec((B, 3, N // 1024, 1024), lambda i: (0, 0, 0, 0))],
        out_specs=pl.BlockSpec((B, 8, 128), lambda i: (0, 0, 0)),
        out_shape=jax.ShapeDtypeStruct((B, 8, 128), jnp.int32),
    )(xr)
    fps_idx = fps8.reshape(B, _S)

    tbl = jnp.concatenate(
        [points, xyz, jnp.zeros((B, N, _PAD - D - 3), jnp.float32)], axis=-1)
    tbl_flat = tbl.reshape(B * N, _PAD)
    offs = jnp.arange(B, dtype=jnp.int32) * N

    fps_flat = (fps_idx + offs[:, None]).reshape(B * _S)
    newc = _gather_rows(tbl_flat, fps_flat, B * _S).reshape(B, _S, _PAD)
    new_xyz = newc[:, :, D:D + 3]

    xt = xyz.transpose(0, 2, 1)
    knn_idx = pl.pallas_call(
        _knn_body,
        grid=(B, _S // _SB),
        in_specs=[
            pl.BlockSpec((1, 3, N), lambda b, s: (b, 0, 0)),
            pl.BlockSpec((1, _SB, 3), lambda b, s: (b, s, 0)),
        ],
        out_specs=pl.BlockSpec((1, _SB, _K), lambda b, s: (b, s, 0)),
        out_shape=jax.ShapeDtypeStruct((B, _S, _K), jnp.int32),
        scratch_shapes=[pltpu.VMEM((_SB, N // 128, 128), jnp.float32),
                        pltpu.VMEM((_SB, N // 128), jnp.float32)],
    )(xt, new_xyz)

    knn_flat = (knn_idx + offs[:, None, None]).reshape(B * _S * _K)
    grouped = _gather_rows(tbl_flat, knn_flat, B * _S * _K).reshape(
        B, _S, _K, _PAD)

    ps = pl.pallas_call(
        _stats_body,
        grid=(B, nblk),
        in_specs=[pl.BlockSpec((1, _SBLK, _K, _PAD), lambda b, j: (b, j, 0, 0))],
        out_specs=pl.BlockSpec((1, 1, 128), lambda b, j: (b * nblk + j, 0, 0)),
        out_shape=jax.ShapeDtypeStruct((B * nblk, 1, 128), jnp.float32),
    )(grouped)

    alpha80 = jnp.pad(affine_alpha.reshape(1, D + 3), ((0, 0), (0, _PAD - D - 3)))
    beta80 = jnp.pad(affine_beta.reshape(1, D + 3), ((0, 0), (0, _PAD - D - 3)))
    out = pl.pallas_call(
        _final_body,
        grid=(B, nblk),
        in_specs=[
            pl.BlockSpec((1, _SBLK, _K, _PAD), lambda b, j: (b, j, 0, 0)),
            pl.BlockSpec((1, _SBLK, _PAD), lambda b, j: (b, j, 0)),
            pl.BlockSpec((nblk, 1, 128), lambda b, j: (b, 0, 0)),
            pl.BlockSpec((1, _PAD), lambda b, j: (0, 0)),
            pl.BlockSpec((1, _PAD), lambda b, j: (0, 0)),
        ],
        out_specs=pl.BlockSpec((1, _SBLK, _K, 2 * D + 3), lambda b, j: (b, j, 0, 0)),
        out_shape=jax.ShapeDtypeStruct((B, _S, _K, 2 * D + 3), jnp.float32),
    )(grouped, newc, ps, alpha80, beta80)

    return (new_xyz, out)


def _gather_rows(tbl_flat, idx_flat, n_rows):
    return _make_sc_gather(n_rows, _PAD)(tbl_flat, idx_flat)

# --- scband reference (transcript-rebuilt; emitter-appended) ---
"""Pipeline reference for scband-smlpling-grouping-28329604284985 (READ-ONLY COPY).

The authoritative reference and input builder live on the scoring server;
editing this copy changes nothing except your own understanding.
"""

import jax, jax.numpy as jnp
import numpy as np
from jax import lax

S = 1024
K = 32

def index_points(points, idx):
    # points: [B, N, C], idx: [B, ...] -> [B, ..., C]
    return jax.vmap(lambda p, i: p[i])(points, idx)

def fps(xyz, n_samples):
    # deterministic farthest point sampling starting from index 0
    B, N, _ = xyz.shape
    dist0 = jnp.full((B, N), 1e10, dtype=xyz.dtype)
    idx0 = jnp.zeros((B,), dtype=jnp.int32)
    def body(carry, _):
        dist, last = carry
        pt = jnp.take_along_axis(xyz, last[:, None, None].astype(jnp.int32), axis=1)  # [B,1,3]
        d = jnp.sum((xyz - pt) ** 2, axis=-1)
        dist = jnp.minimum(dist, d)
        nxt = jnp.argmax(dist, axis=-1).astype(jnp.int32)
        return (dist, nxt), nxt
    (_, _), rest = lax.scan(body, (dist0, idx0), None, length=n_samples - 1)  # rest: [S-1, B]
    return jnp.concatenate([idx0[:, None], rest.T], axis=1)  # [B, S]

def knn_point(k, xyz, new_xyz):
    # squared distances [B, S, N], take k nearest
    d = (jnp.sum(new_xyz ** 2, axis=-1)[:, :, None]
         - 2.0 * jnp.einsum('bsc,bnc->bsn', new_xyz, xyz)
         + jnp.sum(xyz ** 2, axis=-1)[:, None, :])
    return lax.top_k(-d, k)[1]  # [B, S, k]

def setup_inputs(seed: int = 0) -> dict:
    key = jax.random.key(seed)
    k1, k2 = jax.random.split(key)
    xyz = jax.random.normal(k1, (4, 8192, 3), dtype=jnp.float32)
    points = jax.random.normal(k2, (4, 8192, 64), dtype=jnp.float32)
    affine_alpha = jnp.ones((1, 1, 1, 64 + 3), dtype=jnp.float32)
    affine_beta = jnp.zeros((1, 1, 1, 64 + 3), dtype=jnp.float32)
    return {"xyz": xyz, "points": points, "affine_alpha": affine_alpha, "affine_beta": affine_beta}

def reference(xyz, points, affine_alpha, affine_beta):
    B, N, C = xyz.shape
    fps_idx = fps(xyz, S)                          # sampling (details=[['fps',1.0]])
    new_xyz = index_points(xyz, fps_idx)           # [B, S, 3]
    new_points = index_points(points, fps_idx)     # [B, S, D]
    idx = knn_point(K, xyz, new_xyz)               # [B, S, K]
    grouped_xyz = index_points(xyz, idx)           # [B, S, K, 3]
    grouped_points = index_points(points, idx)     # [B, S, K, D]
    grouped_points = jnp.concatenate([grouped_points, grouped_xyz], axis=-1)  # use_xyz
    # normalize == 'center'
    mean = jnp.mean(grouped_points, axis=2, keepdims=True)
    std = jnp.std((grouped_points - mean).reshape(B, -1), axis=-1, ddof=1)[:, None, None, None]
    grouped_points = (grouped_points - mean) / (std + 1e-05)
    grouped_points = affine_alpha * grouped_points + affine_beta
    D = new_points.shape[-1]
    rep = jnp.broadcast_to(new_points[:, :, None, :], (B, S, K, D))
    out = jnp.concatenate([grouped_points, rep], axis=-1)  # [B, S, K, (D+3)+D]
    return (new_xyz, out)

if __name__ == "__main__":
    import jax
    _d = setup_inputs()
    print(jax.jit(kernel)(*tuple(_d.values())))

</pallas_src>

<mosaic_0001>
#map = affine_map<(d0, d1) -> (0, 0)>
#map1 = affine_map<(d0, d1) -> (0)>
module attributes {stable_mosaic.version = 14 : i64} {
  func.func @gather(%arg0: i32, %arg1: i32, %arg2: memref<32768x128xf32, #tpu.memory_space<hbm>>, %arg3: memref<4096xi32, #tpu.memory_space<hbm>>, %arg4: memref<4096x128xf32, #tpu.memory_space<hbm>>, %arg5: memref<128xi32, #tpu.memory_space<vmem>>, %arg6: memref<128x128xf32, #tpu.memory_space<vmem>>, %arg7: memref<!tpu.dma_semaphore, #tpu.memory_space<semaphore_mem>>) attributes {dimension_semantics = [#tpu.dimension_semantics<core_parallel>, #tpu.dimension_semantics<subcore_parallel>], iteration_bounds = array<i64: 2, 16>, scalar_prefetch = 0 : i64, scratch_operands = 3 : i64, tpu.core_type = #tpu.core_type<sc_vector_subcore>, window_params = [{transform_indices = #map}, {transform_indices = #map1}, {transform_indices = #map}]} {
    %mul3A = arith.constant 2 : i32
    %mul3A_0 = arith.muli %arg1, %mul3A : i32
    %add3A = arith.addi %mul3A_0, %arg0 : i32
    %mul3A_1 = arith.constant 128 : i32
    %mul3A_2 = arith.muli %add3A, %mul3A_1 : i32
    %scan3A = arith.constant 0 : i32
    %scan3A_3 = arith.constant 0 : i32
    %mul3A_4 = arith.constant 128 : i32
    %mul3A_5 = arith.muli %scan3A_3, %mul3A_4 : i32
    %add3A_6 = arith.addi %mul3A_2, %mul3A_5 : i32
    %multiple_of3A = tpu.assume_multiple %add3A_6, 8 : i32
    "tpu.region"() ({
      %run_scoped3A = tpu.sem_alloc : memref<!tpu.dma_semaphore, #tpu.memory_space<semaphore_mem>>
      %dma_start3A_12 = tpu.memref_slice %arg3[%multiple_of3A] : memref<4096xi32, #tpu.memory_space<hbm>> -> memref<128xi32, #tpu.memory_space<hbm>>
      %dma_start3A_13 = tpu.memref_slice %arg3[%multiple_of3A] : memref<4096xi32, #tpu.memory_space<hbm>> -> memref<128xi32, #tpu.memory_space<hbm>>
      tpu.enqueue_dma source(%dma_start3A_13 : memref<128xi32, #tpu.memory_space<hbm>>) target(%arg5 : memref<128xi32, #tpu.memory_space<vmem>>) target_semaphore(%run_scoped3A : memref<!tpu.dma_semaphore, #tpu.memory_space<semaphore_mem>>)
      %dma_wait3A_14 = tpu.memref_slice %arg3[%multiple_of3A] : memref<4096xi32, #tpu.memory_space<hbm>> -> memref<128xi32, #tpu.memory_space<hbm>>
      %dma_wait3A_15 = tpu.memref_slice %arg3[%multiple_of3A] : memref<4096xi32, #tpu.memory_space<hbm>> -> memref<128xi32, #tpu.memory_space<hbm>>
      tpu.wait_dma2 semaphore(%run_scoped3A : memref<!tpu.dma_semaphore, #tpu.memory_space<semaphore_mem>>) src(%dma_wait3A_15 : memref<128xi32, #tpu.memory_space<hbm>>) dst(%arg5 : memref<128xi32, #tpu.memory_space<vmem>>)
      tpu.yield
    }) : () -> ()
    %dma_start3A = arith.constant 0 : i32
    %dma_start3A_7 = arith.constant 0 : i32
    %dma_start3A_8 = tpu.memref_slice %arg2[%dma_start3A, %dma_start3A_7] : memref<32768x128xf32, #tpu.memory_space<hbm>> -> memref<32768x128xf32, #tpu.memory_space<hbm>>
    tpu.enqueue_indirect_dma source(%dma_start3A_8 : memref<32768x128xf32, #tpu.memory_space<hbm>>) target(%arg6 : memref<128x128xf32, #tpu.memory_space<vmem>>) offsets(%arg5 : memref<128xi32, #tpu.memory_space<vmem>>) semaphore(%arg7 : memref<!tpu.dma_semaphore, #tpu.memory_space<semaphore_mem>>)
    %dma_wait3A = arith.constant 0 : i32
    %dma_wait3A_9 = arith.constant 0 : i32
    %dma_wait3A_10 = tpu.memref_slice %arg2[%dma_wait3A, %dma_wait3A_9] : memref<32768x128xf32, #tpu.memory_space<hbm>> -> memref<32768x128xf32, #tpu.memory_space<hbm>>
    tpu.wait_indirect_dma semaphore(%arg7 : memref<!tpu.dma_semaphore, #tpu.memory_space<semaphore_mem>>) src(%dma_wait3A_10 : memref<32768x128xf32, #tpu.memory_space<hbm>>) dst(%arg6 : memref<128x128xf32, #tpu.memory_space<vmem>>)
    "tpu.region"() ({
      %run_scoped3A = tpu.sem_alloc : memref<!tpu.dma_semaphore, #tpu.memory_space<semaphore_mem>>
      %dma_start3A_12 = arith.constant 0 : i32
      %dma_start3A_13 = tpu.memref_slice %arg4[%multiple_of3A, %dma_start3A_12] : memref<4096x128xf32, #tpu.memory_space<hbm>> -> memref<128x128xf32, #tpu.memory_space<hbm>>
      %dma_start3A_14 = arith.constant 0 : i32
      %dma_start3A_15 = tpu.memref_slice %arg4[%multiple_of3A, %dma_start3A_14] : memref<4096x128xf32, #tpu.memory_space<hbm>> -> memref<128x128xf32, #tpu.memory_space<hbm>>
      tpu.enqueue_dma source(%arg6 : memref<128x128xf32, #tpu.memory_space<vmem>>) target(%dma_start3A_15 : memref<128x128xf32, #tpu.memory_space<hbm>>) target_semaphore(%run_scoped3A : memref<!tpu.dma_semaphore, #tpu.memory_space<semaphore_mem>>)
      %dma_wait3A_16 = arith.constant 0 : i32
      %dma_wait3A_17 = tpu.memref_slice %arg4[%multiple_of3A, %dma_wait3A_16] : memref<4096x128xf32, #tpu.memory_space<hbm>> -> memref<128x128xf32, #tpu.memory_space<hbm>>
      %dma_wait3A_18 = arith.constant 0 : i32
      %dma_wait3A_19 = tpu.memref_slice %arg4[%multiple_of3A, %dma_wait3A_18] : memref<4096x128xf32, #tpu.memory_space<hbm>> -> memref<128x128xf32, #tpu.memory_space<hbm>>
      tpu.wait_dma2 semaphore(%run_scoped3A : memref<!tpu.dma_semaphore, #tpu.memory_space<semaphore_mem>>) src(%arg6 : memref<128x128xf32, #tpu.memory_space<vmem>>) dst(%dma_wait3A_19 : memref<128x128xf32, #tpu.memory_space<hbm>>)
      tpu.yield
    }) : () -> ()
    %scan3A_11 = arith.constant 1 : i32
    return
  }
}

#map = affine_map<(d0, d1) -> (0, 0)>
#map1 = affine_map<(d0, d1) -> (0)>
module attributes {stable_mosaic.version = 14 : i64} {
  func.func @gather(%arg0: i32, %arg1: i32, %arg2: memref<32768x128xf32, #tpu.memory_space<hbm>>, %arg3: memref<131072xi32, #tpu.memory_space<hbm>>, %arg4: memref<131072x128xf32, #tpu.memory_space<hbm>>, %arg5: memref<128xi32, #tpu.memory_space<vmem>>, %arg6: memref<128x128xf32, #tpu.memory_space<vmem>>, %arg7: memref<!tpu.dma_semaphore, #tpu.memory_space<semaphore_mem>>) attributes {dimension_semantics = [#tpu.dimension_semantics<core_parallel>, #tpu.dimension_semantics<subcore_parallel>], iteration_bounds = array<i64: 2, 16>, scalar_prefetch = 0 : i64, scratch_operands = 3 : i64, tpu.core_type = #tpu.core_type<sc_vector_subcore>, window_params = [{transform_indices = #map}, {transform_indices = #map1}, {transform_indices = #map}]} {
    %mul3A = arith.constant 2 : i32
    %mul3A_0 = arith.muli %arg1, %mul3A : i32
    %add3A = arith.addi %mul3A_0, %arg0 : i32
    %mul3A_1 = arith.constant 4096 : i32
    %mul3A_2 = arith.muli %add3A, %mul3A_1 : i32
    %scan3A = arith.constant 0 : i32
    %scan3A_3 = arith.constant 0 : i32
    %scan3A_4 = arith.constant 32 : i32
    %scan3A_5 = arith.addi %scan3A_3, %scan3A_4 : i32
    %scan3A_6 = arith.constant 1 : i32
    scf.for %scan3A_8 = %scan3A_3 to %scan3A_5 step %scan3A_6  : i32 {
      %mul3A_9 = arith.constant 128 : i32
      %mul3A_10 = arith.muli %scan3A_8, %mul3A_9 : i32
      %add3A_11 = arith.addi %mul3A_2, %mul3A_10 : i32
      %multiple_of3A = tpu.assume_multiple %add3A_11, 8 : i32
      "tpu.region"() ({
        %run_scoped3A = tpu.sem_alloc : memref<!tpu.dma_semaphore, #tpu.memory_space<semaphore_mem>>
        %dma_start3A_16 = tpu.memref_slice %arg3[%multiple_of3A] : memref<131072xi32, #tpu.memory_space<hbm>> -> memref<128xi32, #tpu.memory_space<hbm>>
        %dma_start3A_17 = tpu.memref_slice %arg3[%multiple_of3A] : memref<131072xi32, #tpu.memory_space<hbm>> -> memref<128xi32, #tpu.memory_space<hbm>>
        tpu.enqueue_dma source(%dma_start3A_17 : memref<128xi32, #tpu.memory_space<hbm>>) target(%arg5 : memref<128xi32, #tpu.memory_space<vmem>>) target_semaphore(%run_scoped3A : memref<!tpu.dma_semaphore, #tpu.memory_space<semaphore_mem>>)
        %dma_wait3A_18 = tpu.memref_slice %arg3[%multiple_of3A] : memref<131072xi32, #tpu.memory_space<hbm>> -> memref<128xi32, #tpu.memory_space<hbm>>
        %dma_wait3A_19 = tpu.memref_slice %arg3[%multiple_of3A] : memref<131072xi32, #tpu.memory_space<hbm>> -> memref<128xi32, #tpu.memory_space<hbm>>
        tpu.wait_dma2 semaphore(%run_scoped3A : memref<!tpu.dma_semaphore, #tpu.memory_space<semaphore_mem>>) src(%dma_wait3A_19 : memref<128xi32, #tpu.memory_space<hbm>>) dst(%arg5 : memref<128xi32, #tpu.memory_space<vmem>>)
        tpu.yield
      }) : () -> ()
      %dma_start3A = arith.constant 0 : i32
      %dma_start3A_12 = arith.constant 0 : i32
      %dma_start3A_13 = tpu.memref_slice %arg2[%dma_start3A, %dma_start3A_12] : memref<32768x128xf32, #tpu.memory_space<hbm>> -> memref<32768x128xf32, #tpu.memory_space<hbm>>
      tpu.enqueue_indirect_dma source(%dma_start3A_13 : memref<32768x128xf32, #tpu.memory_space<hbm>>) target(%arg6 : memref<128x128xf32, #tpu.memory_space<vmem>>) offsets(%arg5 : memref<128xi32, #tpu.memory_space<vmem>>) semaphore(%arg7 : memref<!tpu.dma_semaphore, #tpu.memory_space<semaphore_mem>>)
      %dma_wait3A = arith.constant 0 : i32
      %dma_wait3A_14 = arith.constant 0 : i32
      %dma_wait3A_15 = tpu.memref_slice %arg2[%dma_wait3A, %dma_wait3A_14] : memref<32768x128xf32, #tpu.memory_space<hbm>> -> memref<32768x128xf32, #tpu.memory_space<hbm>>
      tpu.wait_indirect_dma semaphore(%arg7 : memref<!tpu.dma_semaphore, #tpu.memory_space<semaphore_mem>>) src(%dma_wait3A_15 : memref<32768x128xf32, #tpu.memory_space<hbm>>) dst(%arg6 : memref<128x128xf32, #tpu.memory_space<vmem>>)
      "tpu.region"() ({
        %run_scoped3A = tpu.sem_alloc : memref<!tpu.dma_semaphore, #tpu.memory_space<semaphore_mem>>
        %dma_start3A_16 = arith.constant 0 : i32
        %dma_start3A_17 = tpu.memref_slice %arg4[%multiple_of3A, %dma_start3A_16] : memref<131072x128xf32, #tpu.memory_space<hbm>> -> memref<128x128xf32, #tpu.memory_space<hbm>>
        %dma_start3A_18 = arith.constant 0 : i32
        %dma_start3A_19 = tpu.memref_slice %arg4[%multiple_of3A, %dma_start3A_18] : memref<131072x128xf32, #tpu.memory_space<hbm>> -> memref<128x128xf32, #tpu.memory_space<hbm>>
        tpu.enqueue_dma source(%arg6 : memref<128x128xf32, #tpu.memory_space<vmem>>) target(%dma_start3A_19 : memref<128x128xf32, #tpu.memory_space<hbm>>) target_semaphore(%run_scoped3A : memref<!tpu.dma_semaphore, #tpu.memory_space<semaphore_mem>>)
        %dma_wait3A_20 = arith.constant 0 : i32
        %dma_wait3A_21 = tpu.memref_slice %arg4[%multiple_of3A, %dma_wait3A_20] : memref<131072x128xf32, #tpu.memory_space<hbm>> -> memref<128x128xf32, #tpu.memory_space<hbm>>
        %dma_wait3A_22 = arith.constant 0 : i32
        %dma_wait3A_23 = tpu.memref_slice %arg4[%multiple_of3A, %dma_wait3A_22] : memref<131072x128xf32, #tpu.memory_space<hbm>> -> memref<128x128xf32, #tpu.memory_space<hbm>>
        tpu.wait_dma2 semaphore(%run_scoped3A : memref<!tpu.dma_semaphore, #tpu.memory_space<semaphore_mem>>) src(%arg6 : memref<128x128xf32, #tpu.memory_space<vmem>>) dst(%dma_wait3A_23 : memref<128x128xf32, #tpu.memory_space<hbm>>)
        tpu.yield
      }) : () -> ()
    }
    %scan3A_7 = arith.constant 32 : i32
    return
  }
}

module attributes {stable_mosaic.version = 14 : i64} {
  func.func @_fps_body(%arg0: i32, %arg1: memref<4x3x8x1024xf32, #tpu.memory_space<vmem>>, %arg2: memref<4x8x128xi32, #tpu.memory_space<vmem>>) attributes {dimension_semantics = [#tpu.dimension_semantics<arbitrary>], iteration_bounds = array<i64: 1>, scalar_prefetch = 0 : i64, scratch_operands = 0 : i64, tpu.core_type = #tpu.core_type<tc>, window_params = [{pipeline_mode = #tpu.pipeline_mode<synchronous>, transform_indices = @transform_0, window_bounds = array<i64: 4, 3, 8, 1024>}, {pipeline_mode = #tpu.pipeline_mode<synchronous>, transform_indices = @transform_1, window_bounds = array<i64: 4, 8, 128>}]} {
    %get3A = arith.constant 0 : index
    %get3A_0 = arith.constant 0 : index
    %get3A_1 = arith.constant 0 : index
    %get3A_2 = arith.constant 0 : index
    %get3A_3 = vector.load %arg1[%get3A, %get3A_0, %get3A_1, %get3A_2] : memref<4x3x8x1024xf32, #tpu.memory_space<vmem>>, vector<4x3x8x1024xf32>
    %reshape3A = vector.shape_cast %get3A_3 : vector<4x3x8x1024xf32> to vector<96x1024xf32>
    %iota3A = tpu.iota {dimensions = array<i32: 0>} : vector<8x1024xi32>
    %iota3A_4 = tpu.iota {dimensions = array<i32: 1>} : vector<8x1024xi32>
    %mul3A = arith.constant 1024 : i32
    %mul3A_5 = vector.broadcast %mul3A : i32 to vector<8x1024xi32>
    %mul3A_6 = arith.muli %iota3A, %mul3A_5 : vector<8x1024xi32>
    %add3A = arith.addi %mul3A_6, %iota3A_4 : vector<8x1024xi32>
    %broadcast_in_dim3A = vector.shape_cast %add3A : vector<8x1024xi32> to vector<1x8x1024xi32>
    %broadcast_in_dim3A_7 = vector.broadcast %broadcast_in_dim3A : vector<1x8x1024xi32> to vector<12x8x1024xi32>
    %reshape3A_8 = vector.shape_cast %broadcast_in_dim3A_7 : vector<12x8x1024xi32> to vector<96x1024xi32>
    %broadcast_in_dim3A_9 = vector.shape_cast %add3A : vector<8x1024xi32> to vector<1x8x1024xi32>
    %broadcast_in_dim3A_10 = vector.broadcast %broadcast_in_dim3A_9 : vector<1x8x1024xi32> to vector<4x8x1024xi32>
    %reshape3A_11 = vector.shape_cast %broadcast_in_dim3A_10 : vector<4x8x1024xi32> to vector<32x1024xi32>
    %iota3A_12 = tpu.iota {dimensions = array<i32: 0>} : vector<8x128xi32>
    %iota3A_13 = tpu.iota {dimensions = array<i32: 1>} : vector<8x128xi32>
    %mul3A_14 = arith.constant 128 : i32
    %mul3A_15 = vector.broadcast %mul3A_14 : i32 to vector<8x128xi32>
    %mul3A_16 = arith.muli %iota3A_12, %mul3A_15 : vector<8x128xi32>
    %add3A_17 = arith.addi %mul3A_16, %iota3A_13 : vector<8x128xi32>
    %broadcast_in_dim3A_18 = vector.shape_cast %add3A_17 : vector<8x128xi32> to vector<1x8x128xi32>
    %broadcast_in_dim3A_19 = vector.broadcast %broadcast_in_dim3A_18 : vector<1x8x128xi32> to vector<4x8x128xi32>
    %reshape3A_20 = vector.shape_cast %broadcast_in_dim3A_19 : vector<4x8x128xi32> to vector<32x128xi32>
    %broadcast_in_dim3A_21 = arith.constant 1.000000e+10 : f32
    %broadcast_in_dim3A_22 = vector.broadcast %broadcast_in_dim3A_21 : f32 to vector<32x1024xf32>
    %broadcast_in_dim3A_23 = arith.constant 0 : i32
    %broadcast_in_dim3A_24 = vector.broadcast %broadcast_in_dim3A_23 : i32 to vector<32x128xi32>
    %broadcast_in_dim3A_25 = arith.constant 0 : i32
    %broadcast_in_dim3A_26 = vector.broadcast %broadcast_in_dim3A_25 : i32 to vector<4x1x1xi32>
    %scan3A = arith.constant 1073741824 : i32
    %scan3A_27 = arith.constant 1 : i32
    %scan3A_28 = arith.constant 1023 : i32
    %scan3A_29 = arith.addi %scan3A_27, %scan3A_28 : i32
    %scan3A_30 = arith.constant 1 : i32
    %scan3A_31:3 = scf.for %scan3A_37 = %scan3A_27 to %scan3A_29 step %scan3A_30 iter_args(%scan3A_38 = %broadcast_in_dim3A_26, %scan3A_39 = %broadcast_in_dim3A_22, %scan3A_40 = %broadcast_in_dim3A_24) -> (vector<4x1x1xi32>, vector<32x1024xf32>, vector<32x128xi32>)  : i32 {
      %broadcast_in_dim3A_41 = vector.shape_cast %scan3A_38 : vector<4x1x1xi32> to vector<4x1x1xi32>
      %broadcast_in_dim3A_42 = vector.broadcast %broadcast_in_dim3A_41 : vector<4x1x1xi32> to vector<4x24x1xi32>
      %reshape3A_43 = vector.shape_cast %broadcast_in_dim3A_42 : vector<4x24x1xi32> to vector<96x1xi32>
      %eq3A = vector.broadcast %reshape3A_43 : vector<96x1xi32> to vector<96x1024xi32>
      %eq3A_44 = arith.cmpi eq, %reshape3A_8, %eq3A : vector<96x1024xi32>
      %jit3A = arith.constant 0.000000e+00 : f32
      %broadcast_in_dim3A_45 = vector.broadcast %jit3A : f32 to vector<96x1024xf32>
      %select_n3A = arith.select %eq3A_44, %reshape3A, %broadcast_in_dim3A_45 : vector<96x1024xi1>, vector<96x1024xf32>
      %reduce_sum3A = arith.constant dense<0.000000e+00> : vector<96xf32>
      %reduce_sum3A_46 = vector.multi_reduction <add>, %select_n3A, %reduce_sum3A [1] : vector<96x1024xf32> to vector<96xf32>
      %broadcast_in_dim3A_47 = vector.shape_cast %reduce_sum3A_46 : vector<96xf32> to vector<96x1xf32>
      %reshape3A_48 = vector.shape_cast %broadcast_in_dim3A_47 : vector<96x1xf32> to vector<12x8x1xf32>
      %reduce_sum3A_49 = arith.constant dense<0.000000e+00> : vector<12x1xf32>
      %reduce_sum3A_50 = vector.multi_reduction <add>, %reshape3A_48, %reduce_sum3A_49 [1] : vector<12x8x1xf32> to vector<12x1xf32>
      %broadcast_in_dim3A_51 = vector.shape_cast %reduce_sum3A_50 : vector<12x1xf32> to vector<12x1x1xf32>
      %broadcast_in_dim3A_52 = vector.shape_cast %broadcast_in_dim3A_51 : vector<12x1x1xf32> to vector<12x1x1xf32>
      %broadcast_in_dim3A_53 = vector.broadcast %broadcast_in_dim3A_52 : vector<12x1x1xf32> to vector<12x8x1xf32>
      %reshape3A_54 = vector.shape_cast %broadcast_in_dim3A_53 : vector<12x8x1xf32> to vector<96x1xf32>
      %sub3A = vector.broadcast %reshape3A_54 : vector<96x1xf32> to vector<96x1024xf32>
      %sub3A_55 = arith.subf %reshape3A, %sub3A : vector<96x1024xf32>
      %integer_pow3A = arith.mulf %sub3A_55, %sub3A_55 : vector<96x1024xf32>
      %reshape3A_56 = vector.shape_cast %integer_pow3A : vector<96x1024xf32> to vector<4x3x8x1024xf32>
      %slice3A = vector.extract_strided_slice %reshape3A_56 {offsets = [0, 0, 0, 0], sizes = [4, 1, 8, 1024], strides = [1, 1, 1, 1]} : vector<4x3x8x1024xf32> to vector<4x1x8x1024xf32>
      %squeeze3A = vector.shape_cast %slice3A : vector<4x1x8x1024xf32> to vector<4x8x1024xf32>
      %reshape3A_57 = vector.shape_cast %integer_pow3A : vector<96x1024xf32> to vector<4x3x8x1024xf32>
      %slice3A_58 = vector.extract_strided_slice %reshape3A_57 {offsets = [0, 1, 0, 0], sizes = [4, 1, 8, 1024], strides = [1, 1, 1, 1]} : vector<4x3x8x1024xf32> to vector<4x1x8x1024xf32>
      %squeeze3A_59 = vector.shape_cast %slice3A_58 : vector<4x1x8x1024xf32> to vector<4x8x1024xf32>
      %add3A_60 = arith.addf %squeeze3A, %squeeze3A_59 : vector<4x8x1024xf32>
      %reshape3A_61 = vector.shape_cast %integer_pow3A : vector<96x1024xf32> to vector<4x3x8x1024xf32>
      %slice3A_62 = vector.extract_strided_slice %reshape3A_61 {offsets = [0, 2, 0, 0], sizes = [4, 1, 8, 1024], strides = [1, 1, 1, 1]} : vector<4x3x8x1024xf32> to vector<4x1x8x1024xf32>
      %squeeze3A_63 = vector.shape_cast %slice3A_62 : vector<4x1x8x1024xf32> to vector<4x8x1024xf32>
      %add3A_64 = arith.addf %add3A_60, %squeeze3A_63 : vector<4x8x1024xf32>
      %reshape3A_65 = vector.shape_cast %add3A_64 : vector<4x8x1024xf32> to vector<32x1024xf32>
      %min3A = arith.minimumf %scan3A_39, %reshape3A_65 : vector<32x1024xf32>
      %reduce_max3A = arith.constant dense<0xFF800000> : vector<32xf32>
      %reduce_max3A_66 = vector.multi_reduction <maximumf>, %min3A, %reduce_max3A [1] : vector<32x1024xf32> to vector<32xf32>
      %broadcast_in_dim3A_67 = vector.shape_cast %reduce_max3A_66 : vector<32xf32> to vector<32x1xf32>
      %reshape3A_68 = vector.shape_cast %broadcast_in_dim3A_67 : vector<32x1xf32> to vector<4x8x1xf32>
      %reduce_max3A_69 = arith.constant dense<0xFF800000> : vector<4x1xf32>
      %reduce_max3A_70 = vector.multi_reduction <maximumf>, %reshape3A_68, %reduce_max3A_69 [1] : vector<4x8x1xf32> to vector<4x1xf32>
      %broadcast_in_dim3A_71 = vector.shape_cast %reduce_max3A_70 : vector<4x1xf32> to vector<4x1x1xf32>
      %broadcast_in_dim3A_72 = vector.shape_cast %broadcast_in_dim3A_71 : vector<4x1x1xf32> to vector<4x1x1xf32>
      %broadcast_in_dim3A_73 = vector.broadcast %broadcast_in_dim3A_72 : vector<4x1x1xf32> to vector<4x8x1xf32>
      %reshape3A_74 = vector.shape_cast %broadcast_in_dim3A_73 : vector<4x8x1xf32> to vector<32x1xf32>
      %eq3A_75 = vector.broadcast %reshape3A_74 : vector<32x1xf32> to vector<32x1024xf32>
      %eq3A_76 = arith.cmpf oeq, %min3A, %eq3A_75 : vector<32x1024xf32>
      %broadcast_in_dim3A_77 = vector.broadcast %scan3A : i32 to vector<32x1024xi32>
      %select_n3A_78 = arith.select %eq3A_76, %reshape3A_11, %broadcast_in_dim3A_77 : vector<32x1024xi1>, vector<32x1024xi32>
      %reduce_min3A = arith.constant dense<2147483647> : vector<32xi32>
      %reduce_min3A_79 = vector.multi_reduction <minsi>, %select_n3A_78, %reduce_min3A [1] : vector<32x1024xi32> to vector<32xi32>
      %broadcast_in_dim3A_80 = vector.shape_cast %reduce_min3A_79 : vector<32xi32> to vector<32x1xi32>
      %reshape3A_81 = vector.shape_cast %broadcast_in_dim3A_80 : vector<32x1xi32> to vector<4x8x1xi32>
      %reduce_min3A_82 = arith.constant dense<2147483647> : vector<4x1xi32>
      %reduce_min3A_83 = vector.multi_reduction <minsi>, %reshape3A_81, %reduce_min3A_82 [1] : vector<4x8x1xi32> to vector<4x1xi32>
      %broadcast_in_dim3A_84 = vector.shape_cast %reduce_min3A_83 : vector<4x1xi32> to vector<4x1x1xi32>
      %broadcast_in_dim3A_85 = vector.shape_cast %broadcast_in_dim3A_84 : vector<4x1x1xi32> to vector<4x1x1xi32>
      %broadcast_in_dim3A_86 = vector.broadcast %broadcast_in_dim3A_85 : vector<4x1x1xi32> to vector<4x8x1xi32>
      %reshape3A_87 = vector.shape_cast %broadcast_in_dim3A_86 : vector<4x8x1xi32> to vector<32x1xi32>
      %eq3A_88 = vector.broadcast %scan3A_37 : i32 to vector<32x128xi32>
      %eq3A_89 = arith.cmpi eq, %reshape3A_20, %eq3A_88 : vector<32x128xi32>
      %broadcast_in_dim3A_90 = vector.shape_cast %reshape3A_87 : vector<32x1xi32> to vector<32x1xi32>
      %broadcast_in_dim3A_91 = vector.broadcast %broadcast_in_dim3A_90 : vector<32x1xi32> to vector<32x128xi32>
      %select_n3A_92 = arith.select %eq3A_89, %broadcast_in_dim3A_91, %scan3A_40 : vector<32x128xi1>, vector<32x128xi32>
      scf.yield %broadcast_in_dim3A_84, %min3A, %select_n3A_92 : vector<4x1x1xi32>, vector<32x1024xf32>, vector<32x128xi32>
    }
    %scan3A_32 = arith.constant 1023 : i32
    %reshape3A_33 = vector.shape_cast %scan3A_31#2 : vector<32x128xi32> to vector<4x8x128xi32>
    %swap3A = arith.constant 0 : index
    %swap3A_34 = arith.constant 0 : index
    %swap3A_35 = arith.constant 0 : index
    %swap3A_36 = vector.load %arg2[%swap3A, %swap3A_34, %swap3A_35] : memref<4x8x128xi32, #tpu.memory_space<vmem>>, vector<4x8x128xi32>
    tpu.vector_store %arg2[%swap3A, %swap3A_34, %swap3A_35], %reshape3A_33 {strides = array<i32>} : memref<4x8x128xi32, #tpu.memory_space<vmem>>, vector<4x8x128xi32>,
    return
  }
  func.func @transform_0(%arg0: i32) -> (i32, i32, i32, i32) {
    %c0_i32 = arith.constant 0 : i32
    %c0_i32_0 = arith.constant 0 : i32
    %c0_i32_1 = arith.constant 0 : i32
    %c0_i32_2 = arith.constant 0 : i32
    %c0_i32_3 = arith.constant 0 : i32
    return %c0_i32, %c0_i32_0, %c0_i32_1, %c0_i32_2 : i32, i32, i32, i32
  }
  func.func @transform_1(%arg0: i32) -> (i32, i32, i32) {
    %c0_i32 = arith.constant 0 : i32
    %c0_i32_0 = arith.constant 0 : i32
    %c0_i32_1 = arith.constant 0 : i32
    %c0_i32_2 = arith.constant 0 : i32
    return %c0_i32, %c0_i32_0, %c0_i32_1 : i32, i32, i32
  }
}

module attributes {stable_mosaic.version = 14 : i64} {
  func.func @_knn_body(%arg0: i32, %arg1: i32, %arg2: memref<1x3x8192xf32, #tpu.memory_space<vmem>>, %arg3: memref<1x128x3xf32, #tpu.memory_space<vmem>>, %arg4: memref<1x128x32xi32, #tpu.memory_space<vmem>>, %arg5: memref<128x64x128xf32, #tpu.memory_space<vmem>>, %arg6: memref<128x64xf32, #tpu.memory_space<vmem>>) attributes {dimension_semantics = [#tpu.dimension_semantics<arbitrary>, #tpu.dimension_semantics<arbitrary>], iteration_bounds = array<i64: 4, 8>, scalar_prefetch = 0 : i64, scratch_operands = 2 : i64, tpu.core_type = #tpu.core_type<tc>, window_params = [{transform_indices = @transform_0, window_bounds = array<i64: 1, 3, 8192>}, {transform_indices = @transform_1, window_bounds = array<i64: 1, 128, 3>}, {transform_indices = @transform_2, window_bounds = array<i64: 1, 128, 32>}]} {
    %get3A = arith.constant 0 : index
    %get3A_0 = arith.constant 0 : index
    %get3A_1 = arith.constant 0 : index
    %get3A_2 = vector.load %arg2[%get3A, %get3A_0, %get3A_1] : memref<1x3x8192xf32, #tpu.memory_space<vmem>>, vector<1x3x8192xf32>
    %get3A_3 = vector.shape_cast %get3A_2 : vector<1x3x8192xf32> to vector<3x8192xf32>
    %get3A_4 = arith.constant 0 : index
    %get3A_5 = arith.constant 0 : index
    %get3A_6 = arith.constant 0 : index
    %get3A_7 = vector.load %arg3[%get3A_4, %get3A_5, %get3A_6] : memref<1x128x3xf32, #tpu.memory_space<vmem>>, vector<1x128x3xf32>
    %get3A_8 = vector.shape_cast %get3A_7 : vector<1x128x3xf32> to vector<128x3xf32>
    %mul3A = arith.mulf %get3A_3, %get3A_3 : vector<3x8192xf32>
    %reduce_sum3A = arith.constant dense<0.000000e+00> : vector<8192xf32>
    %reduce_sum3A_9 = vector.multi_reduction <add>, %mul3A, %reduce_sum3A [0] : vector<3x8192xf32> to vector<8192xf32>
    %broadcast_in_dim3A = vector.shape_cast %reduce_sum3A_9 : vector<8192xf32> to vector<1x8192xf32>
    %mul3A_10 = arith.mulf %get3A_8, %get3A_8 : vector<128x3xf32>
    %reduce_sum3A_11 = arith.constant dense<0.000000e+00> : vector<128xf32>
    %reduce_sum3A_12 = vector.multi_reduction <add>, %mul3A_10, %reduce_sum3A_11 [1] : vector<128x3xf32> to vector<128xf32>
    %broadcast_in_dim3A_13 = vector.shape_cast %reduce_sum3A_12 : vector<128xf32> to vector<128x1xf32>
    %dot_general3A = arith.constant dense<0.000000e+00> : vector<128x8192xf32>
    %dot_general3A_14 = tpu.matmul %get3A_8, %get3A_3, %dot_general3A {dimension_numbers = #tpu.dot_dimension_numbers<[1], [0], [0], [1], [0, 0, 1, 1], [], []>, transpose_lhs_hint = false} : vector<128x3xf32>, vector<3x8192xf32>, vector<128x8192xf32> -> vector<128x8192xf32>
    %mul3A_15 = arith.constant 2.000000e+00 : f32
    %mul3A_16 = vector.broadcast %mul3A_15 : f32 to vector<128x8192xf32>
    %mul3A_17 = arith.mulf %mul3A_16, %dot_general3A_14 : vector<128x8192xf32>
    %sub3A = vector.broadcast %broadcast_in_dim3A_13 : vector<128x1xf32> to vector<128x8192xf32>
    %sub3A_18 = arith.subf %sub3A, %mul3A_17 : vector<128x8192xf32>
    %add3A = vector.broadcast %broadcast_in_dim3A : vector<1x8192xf32> to vector<128x8192xf32>
    %add3A_19 = arith.addf %sub3A_18, %add3A : vector<128x8192xf32>
    %reshape3A = vector.shape_cast %add3A_19 : vector<128x8192xf32> to vector<128x64x128xf32>
    %swap3A = arith.constant 0 : index
    %swap3A_20 = arith.constant 0 : index
    %swap3A_21 = arith.constant 0 : index
    %swap3A_22 = vector.load %arg5[%swap3A, %swap3A_20, %swap3A_21] : memref<128x64x128xf32, #tpu.memory_space<vmem>>, vector<128x64x128xf32>
    tpu.vector_store %arg5[%swap3A, %swap3A_20, %swap3A_21], %reshape3A {strides = array<i32>} : memref<128x64x128xf32, #tpu.memory_space<vmem>>, vector<128x64x128xf32>,
    %get3A_23 = arith.constant 0 : index
    %get3A_24 = arith.constant 0 : index
    %get3A_25 = arith.constant 0 : index
    %get3A_26 = vector.load %arg5[%get3A_23, %get3A_24, %get3A_25] : memref<128x64x128xf32, #tpu.memory_space<vmem>>, vector<128x64x128xf32>
    %reduce_min3A = arith.constant dense<0x7F800000> : vector<128x64xf32>
    %reduce_min3A_27 = vector.multi_reduction <minimumf>, %get3A_26, %reduce_min3A [2] : vector<128x64x128xf32> to vector<128x64xf32>
    %swap3A_28 = arith.constant 0 : index
    %swap3A_29 = arith.constant 0 : index
    %swap3A_30 = vector.load %arg6[%swap3A_28, %swap3A_29] : memref<128x64xf32, #tpu.memory_space<vmem>>, vector<128x64xf32>
    tpu.vector_store %arg6[%swap3A_28, %swap3A_29], %reduce_min3A_27 {strides = array<i32>} : memref<128x64xf32, #tpu.memory_space<vmem>>, vector<128x64xf32>,
    %iota3A = tpu.iota {dimensions = array<i32: 1>} : vector<128x64xi32>
    %iota3A_31 = tpu.iota {dimensions = array<i32: 1>} : vector<128x64x1xi32>
    %iota3A_32 = tpu.iota {dimensions = array<i32: 1>} : vector<128x128xi32>
    %iota3A_33 = tpu.iota {dimensions = array<i32: 1>} : vector<128x32xi32>
    %neg3A = arith.constant 0.000000e+00 : f32
    %neg3A_34 = arith.constant 3.000000e+38 : f32
    %neg3A_35 = arith.subf %neg3A, %neg3A_34 : f32
    %broadcast_in_dim3A_36 = vector.broadcast %neg3A_35 : f32 to vector<128x1xf32>
    %broadcast_in_dim3A_37 = arith.constant -1 : i32
    %broadcast_in_dim3A_38 = vector.broadcast %broadcast_in_dim3A_37 : i32 to vector<128x1xi32>
    %scan3A = arith.constant 1073741824 : i32
    %scan3A_39 = arith.constant 3.000000e+38 : f32
    %scan3A_40 = arith.constant 0 : i32
    %scan3A_41 = arith.constant 32 : i32
    %scan3A_42 = arith.addi %scan3A_40, %scan3A_41 : i32
    %scan3A_43 = arith.constant 1 : i32
    %scan3A_44:2 = scf.for %scan3A_46 = %scan3A_40 to %scan3A_42 step %scan3A_43 iter_args(%scan3A_47 = %broadcast_in_dim3A_36, %scan3A_48 = %broadcast_in_dim3A_38) -> (vector<128x1xf32>, vector<128x1xi32>)  : i32 {
      %get3A_49 = arith.constant 0 : index
      %get3A_50 = arith.constant 0 : index
      %get3A_51 = vector.load %arg6[%get3A_49, %get3A_50] : memref<128x64xf32, #tpu.memory_space<vmem>>, vector<128x64xf32>
      %reduce_min3A_52 = arith.constant dense<0x7F800000> : vector<128xf32>
      %reduce_min3A_53 = vector.multi_reduction <minimumf>, %get3A_51, %reduce_min3A_52 [1] : vector<128x64xf32> to vector<128xf32>
      %broadcast_in_dim3A_54 = vector.shape_cast %reduce_min3A_53 : vector<128xf32> to vector<128x1xf32>
      %eq3A = vector.broadcast %broadcast_in_dim3A_54 : vector<128x1xf32> to vector<128x64xf32>
      %eq3A_55 = arith.cmpf oeq, %get3A_51, %eq3A : vector<128x64xf32>
      %broadcast_in_dim3A_56 = vector.broadcast %scan3A : i32 to vector<128x64xi32>
      %select_n3A = arith.select %eq3A_55, %iota3A, %broadcast_in_dim3A_56 : vector<128x64xi1>, vector<128x64xi32>
      %reduce_min3A_57 = arith.constant dense<2147483647> : vector<128xi32>
      %reduce_min3A_58 = vector.multi_reduction <minsi>, %select_n3A, %reduce_min3A_57 [1] : vector<128x64xi32> to vector<128xi32>
      %broadcast_in_dim3A_59 = vector.shape_cast %reduce_min3A_58 : vector<128xi32> to vector<128x1xi32>
      %broadcast_in_dim3A_60 = vector.shape_cast %broadcast_in_dim3A_59 : vector<128x1xi32> to vector<128x1x1xi32>
      %eq3A_61 = vector.broadcast %broadcast_in_dim3A_60 : vector<128x1x1xi32> to vector<128x64x1xi32>
      %eq3A_62 = arith.cmpi eq, %iota3A_31, %eq3A_61 : vector<128x64x1xi32>
      %get3A_63 = arith.constant 0 : index
      %get3A_64 = arith.constant 0 : index
      %get3A_65 = arith.constant 0 : index
      %get3A_66 = vector.load %arg5[%get3A_63, %get3A_64, %get3A_65] : memref<128x64x128xf32, #tpu.memory_space<vmem>>, vector<128x64x128xf32>
      %jit3A = arith.constant 0.000000e+00 : f32
      %broadcast_in_dim3A_67 = vector.shape_cast %eq3A_62 : vector<128x64x1xi1> to vector<128x64x1xi1>
      %broadcast_in_dim3A_68 = vector.broadcast %broadcast_in_dim3A_67 : vector<128x64x1xi1> to vector<128x64x128xi1>
      %broadcast_in_dim3A_69 = vector.broadcast %jit3A : f32 to vector<128x64x128xf32>
      %select_n3A_70 = arith.select %broadcast_in_dim3A_68, %get3A_66, %broadcast_in_dim3A_69 : vector<128x64x128xi1>, vector<128x64x128xf32>
      %reduce_sum3A_71 = arith.constant dense<0.000000e+00> : vector<128x128xf32>
      %reduce_sum3A_72 = vector.multi_reduction <add>, %select_n3A_70, %reduce_sum3A_71 [1] : vector<128x64x128xf32> to vector<128x128xf32>
      %mul3A_73 = arith.constant 128 : i32
      %mul3A_74 = vector.broadcast %mul3A_73 : i32 to vector<128x1xi32>
      %mul3A_75 = arith.muli %broadcast_in_dim3A_59, %mul3A_74 : vector<128x1xi32>
      %add3A_76 = vector.broadcast %mul3A_75 : vector<128x1xi32> to vector<128x128xi32>
      %add3A_77 = arith.addi %add3A_76, %iota3A_32 : vector<128x128xi32>
      %lt3A = vector.broadcast %scan3A_47 : vector<128x1xf32> to vector<128x128xf32>
      %lt3A_78 = arith.cmpf olt, %reduce_sum3A_72, %lt3A : vector<128x128xf32>
      %eq3A_79 = vector.broadcast %scan3A_47 : vector<128x1xf32> to vector<128x128xf32>
      %eq3A_80 = arith.cmpf oeq, %reduce_sum3A_72, %eq3A_79 : vector<128x128xf32>
      %le3A = vector.broadcast %scan3A_48 : vector<128x1xi32> to vector<128x128xi32>
      %le3A_81 = arith.cmpi sle, %add3A_77, %le3A : vector<128x128xi32>
      %and3A = arith.andi %eq3A_80, %le3A_81 : vector<128x128xi1>
      %or3A = arith.ori %lt3A_78, %and3A : vector<128x128xi1>
      %broadcast_in_dim3A_82 = vector.broadcast %scan3A_39 : f32 to vector<128x128xf32>
      %select_n3A_83 = arith.select %or3A, %broadcast_in_dim3A_82, %reduce_sum3A_72 : vector<128x128xi1>, vector<128x128xf32>
      %eq3A_84 = vector.broadcast %broadcast_in_dim3A_54 : vector<128x1xf32> to vector<128x128xf32>
      %eq3A_85 = arith.cmpf oeq, %select_n3A_83, %eq3A_84 : vector<128x128xf32>
      %broadcast_in_dim3A_86 = vector.broadcast %scan3A : i32 to vector<128x128xi32>
      %select_n3A_87 = arith.select %eq3A_85, %iota3A_32, %broadcast_in_dim3A_86 : vector<128x128xi1>, vector<128x128xi32>
      %reduce_min3A_88 = arith.constant dense<2147483647> : vector<128xi32>
      %reduce_min3A_89 = vector.multi_reduction <minsi>, %select_n3A_87, %reduce_min3A_88 [1] : vector<128x128xi32> to vector<128xi32>
      %broadcast_in_dim3A_90 = vector.shape_cast %reduce_min3A_89 : vector<128xi32> to vector<128x1xi32>
      %mul3A_91 = arith.constant 128 : i32
      %mul3A_92 = vector.broadcast %mul3A_91 : i32 to vector<128x1xi32>
      %mul3A_93 = arith.muli %broadcast_in_dim3A_59, %mul3A_92 : vector<128x1xi32>
      %add3A_94 = arith.addi %mul3A_93, %broadcast_in_dim3A_90 : vector<128x1xi32>
      %eq3A_95 = vector.broadcast %scan3A_46 : i32 to vector<128x32xi32>
      %eq3A_96 = arith.cmpi eq, %iota3A_33, %eq3A_95 : vector<128x32xi32>
      %get3A_97 = arith.constant 0 : index
      %get3A_98 = arith.constant 0 : index
      %get3A_99 = arith.constant 0 : index
      %get3A_100 = vector.load %arg4[%get3A_97, %get3A_98, %get3A_99] : memref<1x128x32xi32, #tpu.memory_space<vmem>>, vector<1x128x32xi32>
      %get3A_101 = vector.shape_cast %get3A_100 : vector<1x128x32xi32> to vector<128x32xi32>
      %broadcast_in_dim3A_102 = vector.shape_cast %add3A_94 : vector<128x1xi32> to vector<128x1xi32>
      %broadcast_in_dim3A_103 = vector.broadcast %broadcast_in_dim3A_102 : vector<128x1xi32> to vector<128x32xi32>
      %select_n3A_104 = arith.select %eq3A_96, %broadcast_in_dim3A_103, %get3A_101 : vector<128x32xi1>, vector<128x32xi32>
      %swap3A_105 = arith.constant 0 : index
      %swap3A_106 = arith.constant 0 : index
      %swap3A_107 = arith.constant 0 : index
      %swap3A_108 = vector.load %arg4[%swap3A_105, %swap3A_106, %swap3A_107] : memref<1x128x32xi32, #tpu.memory_space<vmem>>, vector<1x128x32xi32>
      %swap3A_109 = vector.shape_cast %swap3A_108 : vector<1x128x32xi32> to vector<128x32xi32>
      %swap3A_110 = vector.shape_cast %select_n3A_104 : vector<128x32xi32> to vector<1x128x32xi32>
      tpu.vector_store %arg4[%swap3A_105, %swap3A_106, %swap3A_107], %swap3A_110 {strides = array<i32>} : memref<1x128x32xi32, #tpu.memory_space<vmem>>, vector<1x128x32xi32>,
      %eq3A_111 = vector.broadcast %broadcast_in_dim3A_90 : vector<128x1xi32> to vector<128x128xi32>
      %eq3A_112 = arith.cmpi eq, %iota3A_32, %eq3A_111 : vector<128x128xi32>
      %broadcast_in_dim3A_113 = vector.broadcast %scan3A_39 : f32 to vector<128x128xf32>
      %select_n3A_114 = arith.select %eq3A_112, %broadcast_in_dim3A_113, %select_n3A_83 : vector<128x128xi1>, vector<128x128xf32>
      %reduce_min3A_115 = arith.constant dense<0x7F800000> : vector<128xf32>
      %reduce_min3A_116 = vector.multi_reduction <minimumf>, %select_n3A_114, %reduce_min3A_115 [1] : vector<128x128xf32> to vector<128xf32>
      %broadcast_in_dim3A_117 = vector.shape_cast %reduce_min3A_116 : vector<128xf32> to vector<128x1xf32>
      %eq3A_118 = vector.broadcast %broadcast_in_dim3A_59 : vector<128x1xi32> to vector<128x64xi32>
      %eq3A_119 = arith.cmpi eq, %iota3A, %eq3A_118 : vector<128x64xi32>
      %broadcast_in_dim3A_120 = vector.shape_cast %broadcast_in_dim3A_117 : vector<128x1xf32> to vector<128x1xf32>
      %broadcast_in_dim3A_121 = vector.broadcast %broadcast_in_dim3A_120 : vector<128x1xf32> to vector<128x64xf32>
      %select_n3A_122 = arith.select %eq3A_119, %broadcast_in_dim3A_121, %get3A_51 : vector<128x64xi1>, vector<128x64xf32>
      %swap3A_123 = arith.constant 0 : index
      %swap3A_124 = arith.constant 0 : index
      %swap3A_125 = vector.load %arg6[%swap3A_123, %swap3A_124] : memref<128x64xf32, #tpu.memory_space<vmem>>, vector<128x64xf32>
      tpu.vector_store %arg6[%swap3A_123, %swap3A_124], %select_n3A_122 {strides = array<i32>} : memref<128x64xf32, #tpu.memory_space<vmem>>, vector<128x64xf32>,
      scf.yield %broadcast_in_dim3A_54, %add3A_94 : vector<128x1xf32>, vector<128x1xi32>
    }
    %scan3A_45 = arith.constant 32 : i32
    return
  }
  func.func @transform_0(%arg0: i32, %arg1: i32) -> (i32, i32, i32) {
    %c0_i32 = arith.constant 0 : i32
    %c0_i32_0 = arith.constant 0 : i32
    %c0_i32_1 = arith.constant 0 : i32
    return %arg0, %c0_i32, %c0_i32_0 : i32, i32, i32
  }
  func.func @transform_1(%arg0: i32, %arg1: i32) -> (i32, i32, i32) {
    %c0_i32 = arith.constant 0 : i32
    %c0_i32_0 = arith.constant 0 : i32
    return %arg0, %arg1, %c0_i32 : i32, i32, i32
  }
  func.func @transform_2(%arg0: i32, %arg1: i32) -> (i32, i32, i32) {
    %c0_i32 = arith.constant 0 : i32
    %c0_i32_0 = arith.constant 0 : i32
    return %arg0, %arg1, %c0_i32 : i32, i32, i32
  }
}

module attributes {stable_mosaic.version = 14 : i64} {
  func.func @_stats_body(%arg0: i32, %arg1: i32, %arg2: memref<1x128x32x128xf32, #tpu.memory_space<vmem>>, %arg3: memref<1x1x128xf32, #tpu.memory_space<vmem>>) attributes {dimension_semantics = [#tpu.dimension_semantics<arbitrary>, #tpu.dimension_semantics<arbitrary>], iteration_bounds = array<i64: 4, 8>, scalar_prefetch = 0 : i64, scratch_operands = 0 : i64, tpu.core_type = #tpu.core_type<tc>, window_params = [{transform_indices = @transform_0, window_bounds = array<i64: 1, 128, 32, 128>}, {transform_indices = @transform_1, window_bounds = array<i64: 1, 1, 128>}]} {
    %get3A = arith.constant 0 : index
    %get3A_0 = arith.constant 0 : index
    %get3A_1 = arith.constant 0 : index
    %get3A_2 = arith.constant 0 : index
    %get3A_3 = vector.load %arg2[%get3A, %get3A_0, %get3A_1, %get3A_2] : memref<1x128x32x128xf32, #tpu.memory_space<vmem>>, vector<1x128x32x128xf32>
    %get3A_4 = vector.shape_cast %get3A_3 : vector<1x128x32x128xf32> to vector<128x32x128xf32>
    %reduce_sum3A = arith.constant dense<0.000000e+00> : vector<128x128xf32>
    %reduce_sum3A_5 = vector.multi_reduction <add>, %get3A_4, %reduce_sum3A [1] : vector<128x32x128xf32> to vector<128x128xf32>
    %broadcast_in_dim3A = vector.shape_cast %reduce_sum3A_5 : vector<128x128xf32> to vector<128x1x128xf32>
    %div3A = arith.constant 3.200000e+01 : f32
    %div3A_6 = vector.broadcast %div3A : f32 to vector<128x1x128xf32>
    %div3A_7 = arith.divf %broadcast_in_dim3A, %div3A_6 : vector<128x1x128xf32>
    %sub3A = vector.broadcast %div3A_7 : vector<128x1x128xf32> to vector<128x32x128xf32>
    %sub3A_8 = arith.subf %get3A_4, %sub3A : vector<128x32x128xf32>
    %mul3A = arith.mulf %sub3A_8, %sub3A_8 : vector<128x32x128xf32>
    %reduce_sum3A_9 = vector.shape_cast %mul3A : vector<128x32x128xf32> to vector<1x128x32x128xf32>
    %reduce_sum3A_10 = arith.constant dense<0.000000e+00> : vector<1xf32>
    %reduce_sum3A_11 = vector.multi_reduction <add>, %reduce_sum3A_9, %reduce_sum3A_10 [1, 2, 3] : vector<1x128x32x128xf32> to vector<1xf32>
    %reduce_sum3A_12 = vector.shape_cast %reduce_sum3A_11 : vector<1xf32> to vector<1x1x1x1xf32>
    %reduce_sum3A_13 = vector.extract %reduce_sum3A_12[0, 0, 0, 0] : f32 from vector<1x1x1x1xf32>
    %broadcast_in_dim3A_14 = vector.broadcast %reduce_sum3A_13 : f32 to vector<128xf32>
    %swap3A = arith.constant 0 : index
    %swap3A_15 = arith.constant 0 : index
    %swap3A_16 = arith.constant 0 : index
    %swap3A_17 = vector.load %arg3[%swap3A, %swap3A_15, %swap3A_16] : memref<1x1x128xf32, #tpu.memory_space<vmem>>, vector<1x1x128xf32>
    %swap3A_18 = vector.shape_cast %swap3A_17 : vector<1x1x128xf32> to vector<128xf32>
    %swap3A_19 = vector.shape_cast %broadcast_in_dim3A_14 : vector<128xf32> to vector<1x1x128xf32>
    tpu.vector_store %arg3[%swap3A, %swap3A_15, %swap3A_16], %swap3A_19 {strides = array<i32>} : memref<1x1x128xf32, #tpu.memory_space<vmem>>, vector<1x1x128xf32>,
    return
  }
  func.func @transform_0(%arg0: i32, %arg1: i32) -> (i32, i32, i32, i32) {
    %c0_i32 = arith.constant 0 : i32
    %c0_i32_0 = arith.constant 0 : i32
    %c0_i32_1 = arith.constant 0 : i32
    return %arg0, %arg1, %c0_i32, %c0_i32_0 : i32, i32, i32, i32
  }
  func.func @transform_1(%arg0: i32, %arg1: i32) -> (i32, i32, i32) {
    %mul3A = arith.constant 8 : i32
    %mul3A_0 = arith.muli %arg0, %mul3A : i32
    %add3A = arith.addi %mul3A_0, %arg1 : i32
    %c0_i32 = arith.constant 0 : i32
    %c0_i32_1 = arith.constant 0 : i32
    %c0_i32_2 = arith.constant 0 : i32
    return %add3A, %c0_i32, %c0_i32_1 : i32, i32, i32
  }
}

module attributes {stable_mosaic.version = 14 : i64} {
  func.func @_final_body(%arg0: i32, %arg1: i32, %arg2: memref<1x128x32x128xf32, #tpu.memory_space<vmem>>, %arg3: memref<1x128x128xf32, #tpu.memory_space<vmem>>, %arg4: memref<8x1x128xf32, #tpu.memory_space<vmem>>, %arg5: memref<1x128xf32, #tpu.memory_space<vmem>>, %arg6: memref<1x128xf32, #tpu.memory_space<vmem>>, %arg7: memref<1x128x32x131xf32, #tpu.memory_space<vmem>>) attributes {dimension_semantics = [#tpu.dimension_semantics<arbitrary>, #tpu.dimension_semantics<arbitrary>], iteration_bounds = array<i64: 4, 8>, scalar_prefetch = 0 : i64, scratch_operands = 0 : i64, tpu.core_type = #tpu.core_type<tc>, window_params = [{transform_indices = @transform_0, window_bounds = array<i64: 1, 128, 32, 128>}, {transform_indices = @transform_1, window_bounds = array<i64: 1, 128, 128>}, {transform_indices = @transform_2, window_bounds = array<i64: 8, 1, 128>}, {pipeline_mode = #tpu.pipeline_mode<synchronous>, transform_indices = @transform_3, window_bounds = array<i64: 1, 128>}, {pipeline_mode = #tpu.pipeline_mode<synchronous>, transform_indices = @transform_4, window_bounds = array<i64: 1, 128>}, {transform_indices = @transform_5, window_bounds = array<i64: 1, 128, 32, 131>}]} {
    %get3A = arith.constant 0 : index
    %get3A_0 = arith.constant 0 : index
    %get3A_1 = arith.constant 0 : index
    %get3A_2 = arith.constant 0 : index
    %get3A_3 = vector.load %arg2[%get3A, %get3A_0, %get3A_1, %get3A_2] : memref<1x128x32x128xf32, #tpu.memory_space<vmem>>, vector<1x128x32x128xf32>
    %get3A_4 = vector.shape_cast %get3A_3 : vector<1x128x32x128xf32> to vector<128x32x128xf32>
    %reduce_sum3A = arith.constant dense<0.000000e+00> : vector<128x128xf32>
    %reduce_sum3A_5 = vector.multi_reduction <add>, %get3A_4, %reduce_sum3A [1] : vector<128x32x128xf32> to vector<128x128xf32>
    %broadcast_in_dim3A = vector.shape_cast %reduce_sum3A_5 : vector<128x128xf32> to vector<128x1x128xf32>
    %div3A = arith.constant 3.200000e+01 : f32
    %div3A_6 = vector.broadcast %div3A : f32 to vector<128x1x128xf32>
    %div3A_7 = arith.divf %broadcast_in_dim3A, %div3A_6 : vector<128x1x128xf32>
    %sub3A = vector.broadcast %div3A_7 : vector<128x1x128xf32> to vector<128x32x128xf32>
    %sub3A_8 = arith.subf %get3A_4, %sub3A : vector<128x32x128xf32>
    %get3A_9 = arith.constant 0 : index
    %get3A_10 = arith.constant 0 : index
    %get3A_11 = arith.constant 0 : index
    %get3A_12 = vector.load %arg4[%get3A_9, %get3A_10, %get3A_11] : memref<8x1x128xf32, #tpu.memory_space<vmem>>, vector<8x1x128xf32>
    %reduce_sum3A_13 = vector.shape_cast %get3A_12 : vector<8x1x128xf32> to vector<1x8x1x128xf32>
    %reduce_sum3A_14 = arith.constant dense<0.000000e+00> : vector<1xf32>
    %reduce_sum3A_15 = vector.multi_reduction <add>, %reduce_sum3A_13, %reduce_sum3A_14 [1, 2, 3] : vector<1x8x1x128xf32> to vector<1xf32>
    %reduce_sum3A_16 = vector.shape_cast %reduce_sum3A_15 : vector<1xf32> to vector<1x1x1x1xf32>
    %reduce_sum3A_17 = vector.extract %reduce_sum3A_16[0, 0, 0, 0] : f32 from vector<1x1x1x1xf32>
    %mul3A = arith.constant 7.812500e-03 : f32
    %mul3A_18 = arith.mulf %reduce_sum3A_17, %mul3A : f32
    %div3A_19 = arith.constant 0x4A05FFFC : f32
    %div3A_20 = arith.divf %mul3A_18, %div3A_19 : f32
    %sqrt3A = math.sqrt %div3A_20 : f32
    %add3A = arith.constant 9.99999974E-6 : f32
    %add3A_21 = arith.addf %sqrt3A, %add3A : f32
    %div3A_22 = vector.broadcast %add3A_21 : f32 to vector<128x32x128xf32>
    %div3A_23 = arith.divf %sub3A_8, %div3A_22 : vector<128x32x128xf32>
    %get3A_24 = arith.constant 0 : index
    %get3A_25 = arith.constant 0 : index
    %get3A_26 = vector.load %arg5[%get3A_24, %get3A_25] : memref<1x128xf32, #tpu.memory_space<vmem>>, vector<1x128xf32>
    %broadcast_in_dim3A_27 = vector.shape_cast %get3A_26 : vector<1x128xf32> to vector<1x1x128xf32>
    %mul3A_28 = vector.broadcast %broadcast_in_dim3A_27 : vector<1x1x128xf32> to vector<128x32x128xf32>
    %mul3A_29 = arith.mulf %div3A_23, %mul3A_28 : vector<128x32x128xf32>
    %get3A_30 = arith.constant 0 : index
    %get3A_31 = arith.constant 0 : index
    %get3A_32 = vector.load %arg6[%get3A_30, %get3A_31] : memref<1x128xf32, #tpu.memory_space<vmem>>, vector<1x128xf32>
    %broadcast_in_dim3A_33 = vector.shape_cast %get3A_32 : vector<1x128xf32> to vector<1x1x128xf32>
    %add3A_34 = vector.broadcast %broadcast_in_dim3A_33 : vector<1x1x128xf32> to vector<128x32x128xf32>
    %add3A_35 = arith.addf %mul3A_29, %add3A_34 : vector<128x32x128xf32>
    %get3A_36 = arith.constant 0 : index
    %get3A_37 = arith.constant 0 : index
    %get3A_38 = arith.constant 0 : index
    %get3A_39 = vector.load %arg3[%get3A_36, %get3A_37, %get3A_38] : memref<1x128x128xf32, #tpu.memory_space<vmem>>, vector<1x128x128xf32>
    %get3A_40 = vector.shape_cast %get3A_39 : vector<1x128x128xf32> to vector<128x128xf32>
    %slice3A = vector.extract_strided_slice %get3A_40 {offsets = [0, 0], sizes = [128, 64], strides = [1, 1]} : vector<128x128xf32> to vector<128x64xf32>
    %slice3A_41 = vector.extract_strided_slice %add3A_35 {offsets = [0, 0, 0], sizes = [128, 32, 67], strides = [1, 1, 1]} : vector<128x32x128xf32> to vector<128x32x67xf32>
    %swap3A = arith.constant 0 : index
    %swap3A_42 = arith.constant 0 : index
    %swap3A_43 = arith.constant 0 : index
    %swap3A_44 = arith.constant 0 : index
    %swap3A_45 = vector.load %arg7[%swap3A, %swap3A_42, %swap3A_43, %swap3A_44] : memref<1x128x32x131xf32, #tpu.memory_space<vmem>>, vector<1x128x32x67xf32>
    %swap3A_46 = vector.shape_cast %swap3A_45 : vector<1x128x32x67xf32> to vector<128x32x67xf32>
    %swap3A_47 = vector.shape_cast %slice3A_41 : vector<128x32x67xf32> to vector<1x128x32x67xf32>
    tpu.vector_store %arg7[%swap3A, %swap3A_42, %swap3A_43, %swap3A_44], %swap3A_47 {strides = array<i32>} : memref<1x128x32x131xf32, #tpu.memory_space<vmem>>, vector<1x128x32x67xf32>,
    %broadcast_in_dim3A_48 = vector.shape_cast %slice3A : vector<128x64xf32> to vector<128x1x64xf32>
    %broadcast_in_dim3A_49 = vector.shape_cast %broadcast_in_dim3A_48 : vector<128x1x64xf32> to vector<128x1x64xf32>
    %broadcast_in_dim3A_50 = vector.broadcast %broadcast_in_dim3A_49 : vector<128x1x64xf32> to vector<128x32x64xf32>
    %swap3A_51 = arith.constant 0 : index
    %swap3A_52 = arith.constant 0 : index
    %swap3A_53 = arith.constant 0 : index
    %swap3A_54 = arith.constant 67 : index
    %swap3A_55 = vector.load %arg7[%swap3A_51, %swap3A_52, %swap3A_53, %swap3A_54] : memref<1x128x32x131xf32, #tpu.memory_space<vmem>>, vector<1x128x32x64xf32>
    %swap3A_56 = vector.shape_cast %swap3A_55 : vector<1x128x32x64xf32> to vector<128x32x64xf32>
    %swap3A_57 = vector.shape_cast %broadcast_in_dim3A_50 : vector<128x32x64xf32> to vector<1x128x32x64xf32>
    tpu.vector_store %arg7[%swap3A_51, %swap3A_52, %swap3A_53, %swap3A_54], %swap3A_57 {strides = array<i32>} : memref<1x128x32x131xf32, #tpu.memory_space<vmem>>, vector<1x128x32x64xf32>,
    return
  }
  func.func @transform_0(%arg0: i32, %arg1: i32) -> (i32, i32, i32, i32) {
    %c0_i32 = arith.constant 0 : i32
    %c0_i32_0 = arith.constant 0 : i32
    %c0_i32_1 = arith.constant 0 : i32
    return %arg0, %arg1, %c0_i32, %c0_i32_0 : i32, i32, i32, i32
  }
  func.func @transform_1(%arg0: i32, %arg1: i32) -> (i32, i32, i32) {
    %c0_i32 = arith.constant 0 : i32
    %c0_i32_0 = arith.constant 0 : i32
    return %arg0, %arg1, %c0_i32 : i32, i32, i32
  }
  func.func @transform_2(%arg0: i32, %arg1: i32) -> (i32, i32, i32) {
    %c0_i32 = arith.constant 0 : i32
    %c0_i32_0 = arith.constant 0 : i32
    %c0_i32_1 = arith.constant 0 : i32
    return %arg0, %c0_i32, %c0_i32_0 : i32, i32, i32
  }
  func.func @transform_3(%arg0: i32, %arg1: i32) -> (i32, i32) {
    %c0_i32 = arith.constant 0 : i32
    %c0_i32_0 = arith.constant 0 : i32
    %c0_i32_1 = arith.constant 0 : i32
    return %c0_i32, %c0_i32_0 : i32, i32
  }
  func.func @transform_4(%arg0: i32, %arg1: i32) -> (i32, i32) {
    %c0_i32 = arith.constant 0 : i32
    %c0_i32_0 = arith.constant 0 : i32
    %c0_i32_1 = arith.constant 0 : i32
    return %c0_i32, %c0_i32_0 : i32, i32
  }
  func.func @transform_5(%arg0: i32, %arg1: i32) -> (i32, i32, i32, i32) {
    %c0_i32 = arith.constant 0 : i32
    %c0_i32_0 = arith.constant 0 : i32
    %c0_i32_1 = arith.constant 0 : i32
    return %arg0, %arg1, %c0_i32, %c0_i32_0 : i32, i32, i32, i32
  }
}

</mosaic_0001>

<sc_bundles>
// kernel: kernel.11.cloned.1.call-start
scs
__scs_entry_jumppad:
0x0: {  	(pc) =	sbr.rel $0x88, $3  }
0x1: {  	(tag) =	ssettag $0x0;
	lr =	simm.s32 $0x1  }
0x2: {  	[smem:$0x3F9D] =	sst lr;
	_ =	strace $0xD0000000  }
0x3: {  	_ = 	snop  }
0x4: {  	_ = 	snop  }
0x5: {  	_ = 	snop  }
0x6: {  	_ = 	snop  }
0x7: {  	_ = 	snop  }
__scs_overlays_trampoline_lowered:
0x8: {  	[smem:$0x3FAC] =	sst s0  }
0x9: {  	[smem:$0x3FAD] =	sst s1  }
0xa: {  	[smem:$0x3FAE] =	sst s2  }
0xb: {  	[smem:$0x3FAF] =	sst s3  }
0xc: {  	[smem:$0x3FB0] =	sst s4  }
0xd: {  	[smem:$0x3FB1] =	sst s5  }
0xe: {  	[smem:$0x3FB2] =	sst s6  }
0xf: {  	[smem:$0x3FB3] =	sst s7  }
0x10: {  	[smem:$0x3FB4] =	sst s8  }
0x11: {  	[smem:$0x3FB5] =	sst s9;
	s0 =	simm.s32 @!p0 $0x0  }
0x12: {  	s1 =	sld [smem:$0x3F9B];
	s0 =	simm.s32 @p0 $0x1  }
0x13: {  	[smem:$0x3FB6] =	sst s0;
	s0 =	simm.s32 @!p1 $0x0  }
0x14: {  	s2 =	sld [smem:$0x3F9A];
	s0 =	simm.s32 @p1 $0x1  }
0x15: {  	[smem:$0x3FB7] =	sst s0;
	s0 =	simm.s32 @!p2 $0x0  }
0x16: {  	s3 =	sld [smem:$0x3FDB];
	s0 =	simm.s32 @p2 $0x1  }
0x17: {  	s4 =	simm.s32 $0x1BF5;
	[smem:$0x3FB9] =	sst s0  }
0x18: {  	s0 =	sld [smem:$0x3F9C];
	_ =	swait.ge [sflag:s4], $0x0  }
0x19: {  	s7 =	sld [smem:$0x3F9D]  }
0x1a: {  	s8 =	sadd.s32 $0xFFFFE003, lr  }
0x1b: {  	s9 =	sadd.s32 $0xFFFFFEF7, lr;
	s5 =	simm.s32 $0xFFFFFFFF;
	p2 =	slt.u32 s8, $0xFFFFF086  }
0x1c: {  	p1 =	slt.u32 s9, $0xF7A;
	s5 =	simm.s32 @!p2 $0x0  }
0x1d: {  	s5 =	simm.s32 @p1 $0x1;
	p0 =	seq.s32 s7, s2  }
0x1e: {  	s7 =	smul.u32 @!p0 $0xF7A, s2;
	p2 =	seq.s32 @!p0 s5, $0x0  }
0x1f: {  	s9 =	smul.u32 $0xF7A, s1;
	s8 =	simm.s32 @!p0 $0x1BF5;
	p2 =	por !p2, p0  }
0x20: {  	[sflag:s8] =	ssyncset.s32 @!p0 $0xFFFFF086;
	s6 =	sadd.s32 @!p0 s3, s7;
	s7 =	simm.s32 @!p0 $0x108  }
0x21: {  	s3 =	sadd.s32 s3, s9;
	s6 =	sadd.s32 @!p0 $0x88, s6;
	s7 =	simm.s32 @p2 $0x1082  }
0x22: {  	[simem:s7], [sflag:s8] =	dma.local @!p0 [hbm:s6], $0xF7A  }
0x23: {  	s9 =	sor.u32 $0xD0000000, s2;
	s6 =	simm.s32 $0x108;
	_ =	swait.ge @!p0 [sflag:s8], $0x0  }
0x24: {  	s3 =	sadd.s32 $0x88, s3;
	s6 =	simm.s32 @!p1 $0x1082;
	[sflag:s4] =	ssyncset.s32 $0xFFFFF086  }
0x25: {  	[simem:s6], [sflag:s4] =	dma.local [hbm:s3], $0xF7A  }
0x26: {  	[smem:$0x3F9D] =	sst s1;
	(tag) =	ssettag s2;
	_ =	strace s9  }
0x27: {  	s1 =	sld [smem:$0x3FAD]  }
0x28: {  	s2 =	sld [smem:$0x3FAE]  }
0x29: {  	s4 =	sld [smem:$0x3FB0]  }
0x2a: {  	p0 =	seq.s32 s5, $0x0;
	s5 =	sld [smem:$0x3FB1]  }
0x2b: {  	s6 =	sld [smem:$0x3FB2]  }
0x2c: {  	s7 =	sld [smem:$0x3FB3]  }
0x2d: {  	s3 =	simm.s32 $0x108;
	s8 =	sld [smem:$0x3FB4]  }
0x2e: {  	s3 =	simm.s32 @!p0 $0x1082;
	s9 =	sld [smem:$0x3FB5]  }
0x2f: {  	lr =	sadd.s32 s0, s3;
	s0 =	sld [smem:$0x3FAC]  }
0x30: {  	s3 =	sld [smem:$0x3FAF]  }
0x31: {  	[smem:$0x3FB8] =	sst s10  }
0x32: {  	s10 =	sld [smem:$0x3FB6];
	_ =	sdelay $0x3  }
0x33: {  	p0 =	seq.s32 s10, $0x1;
	s10 =	sld [smem:$0x3FB8];
	_ =	sdelay $0x3  }
0x34: {  	[smem:$0x3FB8] =	sst s10  }
0x35: {  	s10 =	sld [smem:$0x3FB7];
	_ =	sdelay $0x3  }
0x36: {  	p1 =	seq.s32 s10, $0x1;
	s10 =	sld [smem:$0x3FB8];
	_ =	sdelay $0x3  }
0x37: {  	[smem:$0x3FB8] =	sst s10  }
0x38: {  	s10 =	sld [smem:$0x3FB9]  }
0x39: {  	_ = 	snop;
	(pc) =	sbr.ind lr, $3  }
0x3a: {  	_ = 	snop  }
0x3b: {  	_ = 	snop  }
0x3c: {  	p2 =	seq.s32 s10, $0x1;
	s10 =	sld [smem:$0x3FB8]  }
0x3d: {  	_ =	shalt  }
0x3e: {  	_ =	shalt  }
0x3f: {  	_ =	shalt  }
0x40: {  	_ =	shalt  }
0x41: {  	_ =	shalt  }
0x42: {  	_ =	shalt  }
0x43: {  	_ =	shalt  }
0x44: {  	_ =	shalt  }
0x45: {  	_ =	shalt  }
0x46: {  	_ =	shalt  }
0x47: {  	_ =	shalt  }
0x48: {  	_ =	shalt  }
0x49: {  	_ =	shalt  }
0x4a: {  	_ =	shalt  }
0x4b: {  	_ =	shalt  }
0x4c: {  	_ =	shalt  }
0x4d: {  	_ =	shalt  }
0x4e: {  	_ =	shalt  }
0x4f: {  	_ =	shalt  }
0x50: {  	_ =	shalt  }
0x51: {  	_ =	shalt  }
0x52: {  	_ =	shalt  }
0x53: {  	_ =	shalt  }
0x54: {  	_ =	shalt  }
0x55: {  	_ =	shalt  }
0x56: {  	_ =	shalt  }
0x57: {  	_ =	shalt  }
0x58: {  	_ =	shalt  }
0x59: {  	_ =	shalt  }
0x5a: {  	_ =	shalt  }
0x5b: {  	_ =	shalt  }
0x5c: {  	_ =	shalt  }
0x5d: {  	_ =	shalt  }
0x5e: {  	_ =	shalt  }
0x5f: {  	_ =	shalt  }
0x60: {  	_ =	shalt  }
0x61: {  	_ =	shalt  }
0x62: {  	_ =	shalt  }
0x63: {  	_ =	shalt  }
0x64: {  	_ =	shalt  }
0x65: {  	_ =	shalt  }
0x66: {  	_ =	shalt  }
0x67: {  	_ =	shalt  }
0x68: {  	_ =	shalt  }
0x69: {  	_ =	shalt  }
0x6a: {  	_ =	shalt  }
0x6b: {  	_ =	shalt  }
0x6c: {  	_ =	shalt  }
0x6d: {  	_ =	shalt  }
0x6e: {  	_ =	shalt  }
0x6f: {  	_ =	shalt  }
0x70: {  	_ =	shalt  }
0x71: {  	_ =	shalt  }
0x72: {  	_ =	shalt  }
0x73: {  	_ =	shalt  }
0x74: {  	_ =	shalt  }
0x75: {  	_ =	shalt  }
0x76: {  	_ =	shalt  }
0x77: {  	_ =	shalt  }
0x78: {  	_ =	shalt  }
0x79: {  	_ =	shalt  }
0x7a: {  	_ =	shalt  }
0x7b: {  	_ =	shalt  }
0x7c: {  	_ =	shalt  }
0x7d: {  	_ =	shalt  }
0x7e: {  	_ =	shalt  }
0x7f: {  	_ =	shalt  }
0x80: {  	_ =	shalt  }
0x81: {  	_ =	shalt  }
0x82: {  	_ =	shalt  }
0x83: {  	_ =	shalt  }
0x84: {  	_ =	shalt  }
0x85: {  	_ =	shalt  }
0x86: {  	_ =	shalt  }
0x87: {  	_ =	shalt  }
.Lfunc_end0:
.L_simem_size_0:
called_computation.1_lowered:
.L_overlay_start_0:
0x88: {  	s2 =	sld [smem:$0x3FD9]  }
0x89: {  	s3 =	sld [smem:$0x3FFE];
	_ =	sdelay $0x1  }
0x8a: {  	s1 =	srdreg.scid  }
0x8b: {  	s0 =	sand.u32 $0x1, s1  }
0x8c: {  	s14 =	sshll.u32 s0, $0xA;
	s2 =	sadd.s32 s3, s2  }
0x8d: {  	s2 =	sadd.s32 s2, s14  }
0x8e: {  	[smem:$0x3FC4] =	sst s2  }
0x8f: {  	_ = 	snop  }
0x90: {  	s2 =	sld [smem:$0x3FD0];
	_ =	sdelay $0x2  }
0x91: {  	s15 =	simm.s32 $0xA;
	s4 =	simm.s32 $0x10  }
0x92: {  	[smem:s4], [sflag:s15] =	dma.local [hbm:s2], $0x1  }
0x93: {  	_ =	swait.eq [sflag:s15], $0x1  }
0x94: {  	[sflag:s15] =	ssyncset.done $0x0  }
0x95: {  	[sflag:s15] =	ssyncadd.s32 $0xFFFFFFFF  }
0x96: {  	s16 =	sld [smem:$0x11];
	(tm) =	ssettm $0x1  }
0x97: {  	s17 =	sld [smem:$0x3FFB];
	_ =	sdelay $0x3  }
0x98: {  	_ =	strace s17  }
0x99: {  	s3 =	sld [smem:$0x3FFC];
	_ =	sdelay $0x3  }
0x9a: {  	_ =	strace s3  }
0x9b: {  	s3 =	sld [smem:$0x3FFD];
	_ =	sdelay $0x3  }
0x9c: {  	_ =	strace s3  }
0x9d: {  	_ =	strace $0x8FFFFFFF  }
0x9e: {  	s18 =	sld [smem:$0x3FDB];
	_ =	sdelay $0x1  }
0x9f: {  	s19 =	simm.s32 $_scs_section_size  }
0xa0: {  	s5 =	simm.s32 $_size__tile_overlayer_lowered;
	s6 =	simm.s32 $_tile_overlayer_lowered  }
0xa1: {  	s22 =	simm.s32 $0x1BFF;
	s21 =	sshll.u32 s6, $0x1;
	s3 =	sadd.s32 s19, s18  }
0xa2: {  	s7 =	simm.s32 $0x0;
	s20 =	sshll.u32 s5, $0x1;
	s5 =	sadd.s32 s21, s3  }
0xa3: {  	[timem:s7], [sflag:s22] =	dma.local [hbm:s5], s20  }
0xa4: {  	_ =	swait.ge [sflag:s22], s20  }
0xa5: {  	s4 =	ssub.s32 $0x0, s20;
	[sflag:s22] =	ssyncset.done $0x0  }
0xa6: {  	[sflag:s22] =	ssyncadd.s32 s4;
	_ =	sdelay $0x1  }
0xa7: {  	s23 =	simm.s32 $0x1B8B  }
0xa8: {  	_ =	swait.ge [sflag:s23], $0x1  }
0xa9: {  	[sflag:s23] =	ssyncset.done $0x0  }
0xaa: {  	s25 =	simm.s32 $0x1B8E;
	s24 =	sld [smem:$0x3FFE];
	[sflag:s23] =	ssyncadd.s32 $0xFFFFFFFF  }
0xab: {  	s26 =	simm.s32 $execute0_lowered;
	[smem:$0x3FD2] =	sst s25  }
0xac: {  	s5 =	sshll.u32 s26, $0x1;
	_ =	strace $0x80000049;
	[dreg:$0x1] =	wrdreg $0xFFFFFFFF  }
0xad: {  	s28 =	simm.s32 $_size_execute0_lowered;
	s3 =	sadd.s32 s3, s5;
	[dreg:$0x0] =	wrdreg $0x0  }
0xae: {  	s5 =	sshll.u32 s28, $0x1;
	[dreg:$0x2] =	wrdreg s3  }
0xaf: {  	[dreg:$0x3] =	wrdreg s5  }
0xb0: {  	[dreg:$0x4] =	wrdreg $0xC0  }
0xb1: {  	_ =	task [dreg:s7], $0x5FFFF  }
0xb2: {  	[dreg:$0x1] =	wrdreg $0xFFFFFFFF  }
0xb3: {  	[dreg:$0x0] =	wrdreg $0x60  }
0xb4: {  	[dreg:$0x2] =	wrdreg s24  }
0xb5: {  	[dreg:$0x3] =	wrdreg s16  }
0xb6: {  	[dreg:$0x4] =	wrdreg $0x9  }
0xb7: {  	_ =	task.clear_ibuf [dreg:s7], $0x5FFFF;
	_ =	strace $0x90000049  }
0xb8: {  	s29 =	simm.s32 $0x9;
	_ =	strace $0x8000004B  }
0xb9: {  	_ =	swait.ge [sflag:s29], $0x1  }
0xba: {  	[sflag:s29] =	ssyncadd.s32 $0xFFFFFFFF  }
0xbb: {  	_ =	strace $0x9000004B  }
0xbc: {  	_ =	sfence  }
0xbd: {  	s30 =	sld [smem:$0x0];
	_ =	sdelay $0x2  }
0xbe: {  	s31 =	sshll.u32 s1, $0xD;
	s1 =	sshrl.u32 s1, $0x2  }
0xbf: {  	s3 =	sand.u32 $0x4000, s31;
	s1 =	sadd.s32 s1, s30  }
0xc0: {  	s0 =	sor.u32 s3, s0;
	s1 =	sshll.u32 s1, $0x11  }
0xc1: {  	s0 =	sor.u32 s1, s0  }
0xc2: {  	s0 =	sadd.s32 $0x8F2B, s0  }
0xc3: {  	[sflag:s0] =	ssyncadd.remote.s32 $0x1  }
0xc4: {  	_ =	sfence.sel $0xFFFF  }
0xc5: {  	[dreg:$0x0] =	wrdreg $0xFFFFFFFF;
	(pc) =	sbr.abs _section_cstart, $3  }
0xc6: {  	[dreg:$0x1] =	wrdreg $0xFFFFFFFF  }
0xc7: {  	_ =	task.clear_ibuf [dreg:s7], $0x2FFFF;
	_ =	strace $0x9FFFFFFF  }
0xc8: {  	(tm) =	ssettm $0x7FFFFFFF  }
0xc9: {  	_ =	shalt  }
tec
execute0_lowered:
.L_overlay_start_1:
0x0: {  	(tag) =	ssettag $0x1  }
0x1: {  	s4 =	rddreg [dreg:$0x0]  }
0x2: {  	s5 =	rddreg [dreg:$0x1]  }
0x3: {  	s0 =	rddreg [dreg:$0x2];
	s3 =	srdreg.scid  }
0x4: {  	s2 =	simm.s32 $0x0;
	s1 =	stileid.u32;
	s10 =	simm.s32 $0x0  }
0x5: {  	s6 =	sand.u32 $0x1, s3;
	[smem:$0x7FF] =	sst s2;
	s29 =	sshll.u32 s1, $0xD  }
0x6: {  	s3 =	sadd.s32 $0xE00, s4;
	s31 =	sshll.u32 s1, $0x11;
	s7 =	sshll.u32 s6, $0xC  }
0x7: {  	_ =	strace $0x8000004A;
	s8 =	ssub.s32 $0x2, s6;
	s5 =	sadd.s32 s31, s5  }
0x8: {  	s6 =	sshll.u32 s6, $0x10;
	s7 =	sor.u32 s7, s29;
	s9 =	sshrl.u32 s8, $0x1  }
0x9: {  	s5 =	sadd.s32 s6, s5;
	s7 =	sshrl.u32 s7, $0x3;
	s30 =	ssub.s32 s8, s9  }
0xa: {  	s8 =	simm.s32 $0x80;
	s9 =	simm.s32 $0x1;
	s7 =	sadd.s32 s7, s4  }
0xb: {  	s4 =	smax.u32 s30, $0x1;
	s6 =	sadd.s32 $0x90E00, s7;
	s7 =	simm.s32 $0x2  }
.LBB2_1:
0xc: {  	s11 =	sadd.s32 $0x0, s6  }
0xd: {  	[tilespmem:s2], [sflag:$0x2] =	stream.linear.gather [hbm4b:s11+s2], $0x80, $0x38;
	[tilespmem:$0x4080] =	vst v63  }
0xe: {  	_ =	swait.ge [sflag:s7], $0x80  }
0xf: {  	[sflag:s7] =	ssyncset.done $0x0  }
0x10: {  	[sflag:s7] =	ssyncadd.s32 $0xFFFFFF80  }
0x11: {  	[tilespmem:s8], [sflag:$0x1] =	stream.indirect.gather [hbm4b:s3+s8], $0x80, s2, s8, $0xb8;
	[tilespmem:$0x4080] =	vst v63  }
0x12: {  	_ =	swait.ge [sflag:s9], $0x4000  }
0x13: {  	[sflag:s9] =	ssyncset.done $0x0  }
0x14: {  	[sflag:s9] =	ssyncadd.s32 $0xFFFFC000  }
0x15: {  	[hbm4b:s5+s2] =	stream.linear.scatter [tilespmem:s8], [sflag:$0x2], $0x4000, $0x38;
	[tilespmem:$0x4080] =	vst v63  }
0x16: {  	s12 =	simm.s32 $0x10;
	_ =	swait.ge [sflag:s7], $0x4000  }
0x17: {  	s13 =	simm.s32 $0x20;
	s11 =	sadd.s32 $0x800, s5;
	[sflag:s7] =	ssyncset.done $0x0  }
.LBB2_2:
0x18: {  	s14 =	sadd.s32 s12, s6  }
0x19: {  	[sflag:s7] =	ssyncadd.s32 $0xFFFFC000;
	s12 =	smov.u32 s13;
	s15 =	sadd.s32 $0x10, s13  }
0x1a: {  	[tilespmem:s2], [sflag:$0x2] =	stream.linear.gather [hbm4b:s14+s2], $0x80, $0x38;
	[tilespmem:$0x4080] =	vst v63  }
0x1b: {  	p0 =	sne.s32 s13, $0x1F0;
	_ =	swait.ge [sflag:s7], $0x80  }
0x1c: {  	[sflag:s7] =	ssyncset.done $0x0  }
0x1d: {  	[sflag:s7] =	ssyncadd.s32 $0xFFFFFF80  }
0x1e: {  	[tilespmem:s8], [sflag:$0x1] =	stream.indirect.gather [hbm4b:s3+s8], $0x80, s2, s8, $0xb8;
	[tilespmem:$0x4080] =	vst v63  }
0x1f: {  	_ =	swait.ge [sflag:s9], $0x4000  }
.Ltmp0:
0x20: {  	[sflag:s9] =	ssyncset.done $0x0;
	(pc) =	sbr.rel @p0 .LBB2_2-.Ltmp0, $4  }
0x21: {  	[sflag:s9] =	ssyncadd.s32 $0xFFFFC000  }
0x22: {  	[hbm4b:s11+s2] =	stream.linear.scatter [tilespmem:s8], [sflag:$0x2], $0x4000, $0x38;
	[tilespmem:$0x4080] =	vst v63  }
0x23: {  	_ =	swait.ge [sflag:s7], $0x4000  }
0x24: {  	s13 =	smov.u32 s15;
	s11 =	sadd.s32 $0x800, s11;
	[sflag:s7] =	ssyncset.done $0x0  }
0x25: {  	s12 =	sadd.s32 s12, s6;
	[sflag:s7] =	ssyncadd.s32 $0xFFFFC000  }
0x26: {  	[tilespmem:s2], [sflag:$0x2] =	stream.linear.gather [hbm4b:s12+s2], $0x80, $0x38;
	[tilespmem:$0x4080] =	vst v63  }
0x27: {  	_ =	swait.ge [sflag:s7], $0x80  }
0x28: {  	[sflag:s7] =	ssyncset.done $0x0  }
0x29: {  	[sflag:s7] =	ssyncadd.s32 $0xFFFFFF80  }
0x2a: {  	[tilespmem:s8], [sflag:$0x1] =	stream.indirect.gather [hbm4b:s3+s8], $0x80, s2, s8, $0xb8;
	[tilespmem:$0x4080] =	vst v63  }
0x2b: {  	s10 =	sadd.s32 $0x1, s10;
	_ =	swait.ge [sflag:s9], $0x4000  }
0x2c: {  	p0 =	sne.s32 s10, s4;
	[sflag:s9] =	ssyncset.done $0x0  }
.Ltmp1:
0x2d: {  	[sflag:s9] =	ssyncadd.s32 $0xFFFFC000;
	(pc) =	sbr.rel @p0 .LBB2_1-.Ltmp1, $4  }
0x2e: {  	[hbm4b:s11+s2] =	stream.linear.scatter [tilespmem:s8], [sflag:$0x2], $0x4000, $0x38;
	[tilespmem:$0x4080] =	vst v63  }
0x2f: {  	_ =	swait.ge [sflag:s7], $0x4000  }
0x30: {  	[sflag:s7] =	ssyncset.done $0x0  }
0x31: {  	[sflag:s7] =	ssyncadd.s32 $0xFFFFC000  }
0x32: {  	_ =	sfence.sel $0x180000  }
0x33: {  	[bflag:$0x0] =	sbarrier.arrive $0xFFFF  }
0x34: {  	p0 =	sne.s32 s1, $0x0;
	_ =	strace $0x9000004A  }
0x35: {  	s0 =	sadd.s32 @!p0 $0x100000, s0;
	[bflag:$0x2] =	sbarrier.arrive $0xFFFF  }
0x36: {  	[sflag:s0] =	ssyncadd.tile.s32 @!p0 $0x1;
	_ =	shalt  }
.Lfunc_end2:
_tile_overlayer_lowered:
.L_overlay_start_2:
0x37: {  	(tag) =	ssettag $0x2  }
0x38: {  	s0 =	rddreg [dreg:$0x0];
	s2 =	stileid.u32  }
0x39: {  	s1 =	rddreg [dreg:$0x1];
	p0 =	sne.s32 s2, $0x0  }
0x3a: {  	s3 =	rddreg [dreg:$0x2];
	[bflag:$0x3] =	sbarrier.arrive $0xFFFF;
	s2 =	simm.s32 @!p0 $0x1C02  }
0x3b: {  	[timem:s3], [sflag:s2] =	dma.local @!p0 [hbm:s0], s1  }
0x3c: {  	s0 =	simm.s32 @!p0 $0x2  }
0x3d: {  	_ =	swait.ge @!p0 [sflag:s0], s1  }
0x3e: {  	s1 =	ssub.s32 @!p0 $0x0, s1;
	[sflag:s0] =	ssyncset.done @!p0 $0x0  }
0x3f: {  	[sflag:s0] =	ssyncadd.s32 @!p0 s1  }
0x40: {  	[bflag:$0x3] =	sbarrier.arrive $0xFFFF  }
0x41: {  	_ =	shalt  }

// kernel: kernel.8.cloned.1.call-start
scs
__scs_entry_jumppad:
0x0: {  	(pc) =	sbr.rel $0x88, $3  }
0x1: {  	(tag) =	ssettag $0x0;
	lr =	simm.s32 $0x1  }
0x2: {  	[smem:$0x3F9D] =	sst lr;
	_ =	strace $0xD0000000  }
0x3: {  	_ = 	snop  }
0x4: {  	_ = 	snop  }
0x5: {  	_ = 	snop  }
0x6: {  	_ = 	snop  }
0x7: {  	_ = 	snop  }
__scs_overlays_trampoline_lowered:
0x8: {  	[smem:$0x3FAC] =	sst s0  }
0x9: {  	[smem:$0x3FAD] =	sst s1  }
0xa: {  	[smem:$0x3FAE] =	sst s2  }
0xb: {  	[smem:$0x3FAF] =	sst s3  }
0xc: {  	[smem:$0x3FB0] =	sst s4  }
0xd: {  	[smem:$0x3FB1] =	sst s5  }
0xe: {  	[smem:$0x3FB2] =	sst s6  }
0xf: {  	[smem:$0x3FB3] =	sst s7  }
0x10: {  	[smem:$0x3FB4] =	sst s8  }
0x11: {  	[smem:$0x3FB5] =	sst s9;
	s0 =	simm.s32 @!p0 $0x0  }
0x12: {  	s1 =	sld [smem:$0x3F9B];
	s0 =	simm.s32 @p0 $0x1  }
0x13: {  	[smem:$0x3FB6] =	sst s0;
	s0 =	simm.s32 @!p1 $0x0  }
0x14: {  	s2 =	sld [smem:$0x3F9A];
	s0 =	simm.s32 @p1 $0x1  }
0x15: {  	[smem:$0x3FB7] =	sst s0;
	s0 =	simm.s32 @!p2 $0x0  }
0x16: {  	s3 =	sld [smem:$0x3FDB];
	s0 =	simm.s32 @p2 $0x1  }
0x17: {  	s4 =	simm.s32 $0x1BF5;
	[smem:$0x3FB9] =	sst s0  }
0x18: {  	s0 =	sld [smem:$0x3F9C];
	_ =	swait.ge [sflag:s4], $0x0  }
0x19: {  	s7 =	sld [smem:$0x3F9D]  }
0x1a: {  	s8 =	sadd.s32 $0xFFFFE003, lr  }
0x1b: {  	s9 =	sadd.s32 $0xFFFFFEF7, lr;
	s5 =	simm.s32 $0xFFFFFFFF;
	p2 =	slt.u32 s8, $0xFFFFF086  }
0x1c: {  	p1 =	slt.u32 s9, $0xF7A;
	s5 =	simm.s32 @!p2 $0x0  }
0x1d: {  	s5 =	simm.s32 @p1 $0x1;
	p0 =	seq.s32 s7, s2  }
0x1e: {  	s7 =	smul.u32 @!p0 $0xF7A, s2;
	p2 =	seq.s32 @!p0 s5, $0x0  }
0x1f: {  	s9 =	smul.u32 $0xF7A, s1;
	s8 =	simm.s32 @!p0 $0x1BF5;
	p2 =	por !p2, p0  }
0x20: {  	[sflag:s8] =	ssyncset.s32 @!p0 $0xFFFFF086;
	s6 =	sadd.s32 @!p0 s3, s7;
	s7 =	simm.s32 @!p0 $0x108  }
0x21: {  	s3 =	sadd.s32 s3, s9;
	s6 =	sadd.s32 @!p0 $0x88, s6;
	s7 =	simm.s32 @p2 $0x1082  }
0x22: {  	[simem:s7], [sflag:s8] =	dma.local @!p0 [hbm:s6], $0xF7A  }
0x23: {  	s9 =	sor.u32 $0xD0000000, s2;
	s6 =	simm.s32 $0x108;
	_ =	swait.ge @!p0 [sflag:s8], $0x0  }
0x24: {  	s3 =	sadd.s32 $0x88, s3;
	s6 =	simm.s32 @!p1 $0x1082;
	[sflag:s4] =	ssyncset.s32 $0xFFFFF086  }
0x25: {  	[simem:s6], [sflag:s4] =	dma.local [hbm:s3], $0xF7A  }
0x26: {  	[smem:$0x3F9D] =	sst s1;
	(tag) =	ssettag s2;
	_ =	strace s9  }
0x27: {  	s1 =	sld [smem:$0x3FAD]  }
0x28: {  	s2 =	sld [smem:$0x3FAE]  }
0x29: {  	s4 =	sld [smem:$0x3FB0]  }
0x2a: {  	p0 =	seq.s32 s5, $0x0;
	s5 =	sld [smem:$0x3FB1]  }
0x2b: {  	s6 =	sld [smem:$0x3FB2]  }
0x2c: {  	s7 =	sld [smem:$0x3FB3]  }
0x2d: {  	s3 =	simm.s32 $0x108;
	s8 =	sld [smem:$0x3FB4]  }
0x2e: {  	s3 =	simm.s32 @!p0 $0x1082;
	s9 =	sld [smem:$0x3FB5]  }
0x2f: {  	lr =	sadd.s32 s0, s3;
	s0 =	sld [smem:$0x3FAC]  }
0x30: {  	s3 =	sld [smem:$0x3FAF]  }
0x31: {  	[smem:$0x3FB8] =	sst s10  }
0x32: {  	s10 =	sld [smem:$0x3FB6];
	_ =	sdelay $0x3  }
0x33: {  	p0 =	seq.s32 s10, $0x1;
	s10 =	sld [smem:$0x3FB8];
	_ =	sdelay $0x3  }
0x34: {  	[smem:$0x3FB8] =	sst s10  }
0x35: {  	s10 =	sld [smem:$0x3FB7];
	_ =	sdelay $0x3  }
0x36: {  	p1 =	seq.s32 s10, $0x1;
	s10 =	sld [smem:$0x3FB8];
	_ =	sdelay $0x3  }
0x37: {  	[smem:$0x3FB8] =	sst s10  }
0x38: {  	s10 =	sld [smem:$0x3FB9]  }
0x39: {  	_ = 	snop;
	(pc) =	sbr.ind lr, $3  }
0x3a: {  	_ = 	snop  }
0x3b: {  	_ = 	snop  }
0x3c: {  	p2 =	seq.s32 s10, $0x1;
	s10 =	sld [smem:$0x3FB8]  }
0x3d: {  	_ =	shalt  }
0x3e: {  	_ =	shalt  }
0x3f: {  	_ =	shalt  }
0x40: {  	_ =	shalt  }
0x41: {  	_ =	shalt  }
0x42: {  	_ =	shalt  }
0x43: {  	_ =	shalt  }
0x44: {  	_ =	shalt  }
0x45: {  	_ =	shalt  }
0x46: {  	_ =	shalt  }
0x47: {  	_ =	shalt  }
0x48: {  	_ =	shalt  }
0x49: {  	_ =	shalt  }
0x4a: {  	_ =	shalt  }
0x4b: {  	_ =	shalt  }
0x4c: {  	_ =	shalt  }
0x4d: {  	_ =	shalt  }
0x4e: {  	_ =	shalt  }
0x4f: {  	_ =	shalt  }
0x50: {  	_ =	shalt  }
0x51: {  	_ =	shalt  }
0x52: {  	_ =	shalt  }
0x53: {  	_ =	shalt  }
0x54: {  	_ =	shalt  }
0x55: {  	_ =	shalt  }
0x56: {  	_ =	shalt  }
0x57: {  	_ =	shalt  }
0x58: {  	_ =	shalt  }
0x59: {  	_ =	shalt  }
0x5a: {  	_ =	shalt  }
0x5b: {  	_ =	shalt  }
0x5c: {  	_ =	shalt  }
0x5d: {  	_ =	shalt  }
0x5e: {  	_ =	shalt  }
0x5f: {  	_ =	shalt  }
0x60: {  	_ =	shalt  }
0x61: {  	_ =	shalt  }
0x62: {  	_ =	shalt  }
0x63: {  	_ =	shalt  }
0x64: {  	_ =	shalt  }
0x65: {  	_ =	shalt  }
0x66: {  	_ =	shalt  }
0x67: {  	_ =	shalt  }
0x68: {  	_ =	shalt  }
0x69: {  	_ =	shalt  }
0x6a: {  	_ =	shalt  }
0x6b: {  	_ =	shalt  }
0x6c: {  	_ =	shalt  }
0x6d: {  	_ =	shalt  }
0x6e: {  	_ =	shalt  }
0x6f: {  	_ =	shalt  }
0x70: {  	_ =	shalt  }
0x71: {  	_ =	shalt  }
0x72: {  	_ =	shalt  }
0x73: {  	_ =	shalt  }
0x74: {  	_ =	shalt  }
0x75: {  	_ =	shalt  }
0x76: {  	_ =	shalt  }
0x77: {  	_ =	shalt  }
0x78: {  	_ =	shalt  }
0x79: {  	_ =	shalt  }
0x7a: {  	_ =	shalt  }
0x7b: {  	_ =	shalt  }
0x7c: {  	_ =	shalt  }
0x7d: {  	_ =	shalt  }
0x7e: {  	_ =	shalt  }
0x7f: {  	_ =	shalt  }
0x80: {  	_ =	shalt  }
0x81: {  	_ =	shalt  }
0x82: {  	_ =	shalt  }
0x83: {  	_ =	shalt  }
0x84: {  	_ =	shalt  }
0x85: {  	_ =	shalt  }
0x86: {  	_ =	shalt  }
0x87: {  	_ =	shalt  }
.Lfunc_end0:
.L_simem_size_0:
called_computation_lowered:
.L_overlay_start_0:
0x88: {  	s2 =	sld [smem:$0x3FD9]  }
0x89: {  	s3 =	sld [smem:$0x3FFE];
	_ =	sdelay $0x1  }
0x8a: {  	s1 =	srdreg.scid  }
0x8b: {  	s0 =	sand.u32 $0x1, s1  }
0x8c: {  	s14 =	sshll.u32 s0, $0xA;
	s2 =	sadd.s32 s3, s2  }
0x8d: {  	s2 =	sadd.s32 s2, s14  }
0x8e: {  	[smem:$0x3FC4] =	sst s2  }
0x8f: {  	_ = 	snop  }
0x90: {  	s2 =	sld [smem:$0x3FD0];
	_ =	sdelay $0x2  }
0x91: {  	s15 =	simm.s32 $0xA;
	s4 =	simm.s32 $0x10  }
0x92: {  	[smem:s4], [sflag:s15] =	dma.local [hbm:s2], $0x1  }
0x93: {  	_ =	swait.eq [sflag:s15], $0x1  }
0x94: {  	[sflag:s15] =	ssyncset.done $0x0  }
0x95: {  	[sflag:s15] =	ssyncadd.s32 $0xFFFFFFFF  }
0x96: {  	s16 =	sld [smem:$0x10];
	(tm) =	ssettm $0x1  }
0x97: {  	s17 =	sld [smem:$0x3FFB];
	_ =	sdelay $0x3  }
0x98: {  	_ =	strace s17  }
0x99: {  	s3 =	sld [smem:$0x3FFC];
	_ =	sdelay $0x3  }
0x9a: {  	_ =	strace s3  }
0x9b: {  	s3 =	sld [smem:$0x3FFD];
	_ =	sdelay $0x3  }
0x9c: {  	_ =	strace s3  }
0x9d: {  	_ =	strace $0x8FFFFFFF  }
0x9e: {  	s18 =	sld [smem:$0x3FDB];
	_ =	sdelay $0x1  }
0x9f: {  	s19 =	simm.s32 $_scs_section_size  }
0xa0: {  	s5 =	simm.s32 $_size__tile_overlayer_lowered;
	s6 =	simm.s32 $_tile_overlayer_lowered  }
0xa1: {  	s22 =	simm.s32 $0x1BFF;
	s21 =	sshll.u32 s6, $0x1;
	s3 =	sadd.s32 s19, s18  }
0xa2: {  	s7 =	simm.s32 $0x0;
	s20 =	sshll.u32 s5, $0x1;
	s5 =	sadd.s32 s21, s3  }
0xa3: {  	[timem:s7], [sflag:s22] =	dma.local [hbm:s5], s20  }
0xa4: {  	_ =	swait.ge [sflag:s22], s20  }
0xa5: {  	s4 =	ssub.s32 $0x0, s20;
	[sflag:s22] =	ssyncset.done $0x0  }
0xa6: {  	[sflag:s22] =	ssyncadd.s32 s4;
	_ =	sdelay $0x1  }
0xa7: {  	s23 =	simm.s32 $0x1B8B  }
0xa8: {  	_ =	swait.ge [sflag:s23], $0x1  }
0xa9: {  	[sflag:s23] =	ssyncset.done $0x0  }
0xaa: {  	s25 =	simm.s32 $0x1B8E;
	s24 =	sld [smem:$0x3FFE];
	[sflag:s23] =	ssyncadd.s32 $0xFFFFFFFF  }
0xab: {  	s26 =	simm.s32 $execute0_lowered;
	[smem:$0x3FD2] =	sst s25  }
0xac: {  	s5 =	sshll.u32 s26, $0x1;
	_ =	strace $0x80000046;
	[dreg:$0x1] =	wrdreg $0xFFFFFFFF  }
0xad: {  	s28 =	simm.s32 $_size_execute0_lowered;
	s3 =	sadd.s32 s3, s5;
	[dreg:$0x0] =	wrdreg $0x0  }
0xae: {  	s5 =	sshll.u32 s28, $0x1;
	[dreg:$0x2] =	wrdreg s3  }
0xaf: {  	[dreg:$0x3] =	wrdreg s5  }
0xb0: {  	[dreg:$0x4] =	wrdreg $0xC0  }
0xb1: {  	_ =	task [dreg:s7], $0x5FFFF  }
0xb2: {  	[dreg:$0x1] =	wrdreg $0xFFFFFFFF  }
0xb3: {  	[dreg:$0x0] =	wrdreg $0x60  }
0xb4: {  	[dreg:$0x2] =	wrdreg s24  }
0xb5: {  	[dreg:$0x3] =	wrdreg s16  }
0xb6: {  	[dreg:$0x4] =	wrdreg $0x9  }
0xb7: {  	_ =	task.clear_ibuf [dreg:s7], $0x5FFFF;
	_ =	strace $0x90000046  }
0xb8: {  	s29 =	simm.s32 $0x9;
	_ =	strace $0x80000048  }
0xb9: {  	_ =	swait.ge [sflag:s29], $0x1  }
0xba: {  	[sflag:s29] =	ssyncadd.s32 $0xFFFFFFFF  }
0xbb: {  	_ =	strace $0x90000048  }
0xbc: {  	_ =	sfence  }
0xbd: {  	s30 =	sld [smem:$0x0];
	_ =	sdelay $0x2  }
0xbe: {  	s31 =	sshll.u32 s1, $0xD;
	s1 =	sshrl.u32 s1, $0x2  }
0xbf: {  	s3 =	sand.u32 $0x4000, s31;
	s1 =	sadd.s32 s1, s30  }
0xc0: {  	s0 =	sor.u32 s3, s0;
	s1 =	sshll.u32 s1, $0x11  }
0xc1: {  	s0 =	sor.u32 s1, s0  }
0xc2: {  	s0 =	sadd.s32 $0x8F2B, s0  }
0xc3: {  	[sflag:s0] =	ssyncadd.remote.s32 $0x1  }
0xc4: {  	_ =	sfence.sel $0xFFFF  }
0xc5: {  	[dreg:$0x0] =	wrdreg $0xFFFFFFFF;
	(pc) =	sbr.abs _section_cstart, $3  }
0xc6: {  	[dreg:$0x1] =	wrdreg $0xFFFFFFFF  }
0xc7: {  	_ =	task.clear_ibuf [dreg:s7], $0x2FFFF;
	_ =	strace $0x9FFFFFFF  }
0xc8: {  	(tm) =	ssettm $0x7FFFFFFF  }
0xc9: {  	_ =	shalt  }
tec
execute0_lowered:
.L_overlay_start_1:
0x0: {  	(tag) =	ssettag $0x1  }
0x1: {  	s1 =	srdreg.scid  }
0x2: {  	s8 =	rddreg [dreg:$0x0];
	s0 =	stileid.u32  }
0x3: {  	s3 =	rddreg [dreg:$0x1];
	s2 =	simm.s32 $0x0;
	s6 =	sand.u32 $0x1, s1  }
0x4: {  	s4 =	sshll.u32 s0, $0x8;
	s1 =	rddreg [dreg:$0x2];
	s5 =	sshll.u32 s6, $0x7  }
0x5: {  	s7 =	simm.s32 $0x1;
	[smem:$0x7FF] =	sst s2;
	s9 =	sor.u32 s5, s4  }
0x6: {  	_ =	strace $0x80000047;
	s10 =	ssub.s32 $0x2, s6;
	s4 =	sshrl.u32 s9, $0x3  }
0x7: {  	s6 =	simm.s32 $0x80;
	s4 =	sadd.s32 s3, s4;
	s3 =	simm.s32 $0x2  }
0x8: {  	[tilespmem:s2], [sflag:$0x2] =	stream.linear.gather [hbm4b:s4+s2], $0x80, $0x38;
	[tilespmem:$0x4080] =	vst v63  }
0x9: {  	s5 =	sadd.s32 $0xE00, s8;
	s11 =	sshrl.u32 s10, $0x1;
	_ =	swait.ge [sflag:s3], $0x80  }
0xa: {  	s9 =	sshll.u32 s9, $0x4;
	s31 =	ssub.s32 s10, s11;
	[sflag:s3] =	ssyncset.done $0x0  }
0xb: {  	s8 =	sadd.s32 s9, s8;
	s9 =	smax.u32 s31, $0x1;
	[sflag:s3] =	ssyncadd.s32 $0xFFFFFF80  }
0xc: {  	[tilespmem:s6], [sflag:$0x1] =	stream.indirect.gather [hbm4b:s5+s6], $0x80, s2, s6, $0xb8;
	[tilespmem:$0x4080] =	vst v63  }
0xd: {  	p0 =	sne.s32 s9, $0x1;
	_ =	swait.ge [sflag:s7], $0x4000  }
.Ltmp0:
0xe: {  	[sflag:s7] =	ssyncset.done $0x0;
	(pc) =	sbr.rel @!p0 .LBB2_2-.Ltmp0, $4  }
0xf: {  	s8 =	sadd.s32 $0x80E00, s8;
	[sflag:s7] =	ssyncadd.s32 $0xFFFFC000  }
0x10: {  	[hbm4b:s8+s2] =	stream.linear.scatter [tilespmem:s6], [sflag:$0x2], $0x4000, $0x38;
	[tilespmem:$0x4080] =	vst v63  }
0x11: {  	_ =	swait.ge [sflag:s3], $0x4000  }
0x12: {  	s9 =	sadd.s32 $0xFFFFFFFF, s9;
	[sflag:s3] =	ssyncset.done $0x0  }
.LBB2_1:
0x13: {  	p0 =	sne.s32 s9, $0x1;
	s9 =	sadd.s32 $0xFFFFFFFF, s9;
	[sflag:s3] =	ssyncadd.s32 $0xFFFFC000  }
0x14: {  	[tilespmem:s2], [sflag:$0x2] =	stream.linear.gather [hbm4b:s4+s2], $0x80, $0x38;
	[tilespmem:$0x4080] =	vst v63  }
0x15: {  	_ =	swait.ge [sflag:s3], $0x80  }
0x16: {  	[sflag:s3] =	ssyncset.done $0x0  }
0x17: {  	[sflag:s3] =	ssyncadd.s32 $0xFFFFFF80  }
0x18: {  	[tilespmem:s6], [sflag:$0x1] =	stream.indirect.gather [hbm4b:s5+s6], $0x80, s2, s6, $0xb8;
	[tilespmem:$0x4080] =	vst v63  }
0x19: {  	_ =	swait.ge [sflag:s7], $0x4000  }
.Ltmp1:
0x1a: {  	[sflag:s7] =	ssyncset.done $0x0;
	(pc) =	sbr.rel @p0 .LBB2_1-.Ltmp1, $4  }
0x1b: {  	[sflag:s7] =	ssyncadd.s32 $0xFFFFC000  }
0x1c: {  	[hbm4b:s8+s2] =	stream.linear.scatter [tilespmem:s6], [sflag:$0x2], $0x4000, $0x38;
	[tilespmem:$0x4080] =	vst v63  }
0x1d: {  	_ =	swait.ge [sflag:s3], $0x4000  }
0x1e: {  	[sflag:s3] =	ssyncset.done $0x0  }
.LBB2_2:
0x1f: {  	[sflag:s3] =	ssyncadd.s32 $0xFFFFC000  }
0x20: {  	_ =	sfence.sel $0x180000  }
0x21: {  	[bflag:$0x0] =	sbarrier.arrive $0xFFFF  }
0x22: {  	p0 =	sne.s32 s0, $0x0;
	_ =	strace $0x90000047  }
0x23: {  	s0 =	sadd.s32 @!p0 $0x100000, s1;
	[bflag:$0x2] =	sbarrier.arrive $0xFFFF  }
0x24: {  	[sflag:s0] =	ssyncadd.tile.s32 @!p0 $0x1;
	_ =	shalt  }
.Lfunc_end2:
_tile_overlayer_lowered:
.L_overlay_start_2:
0x25: {  	(tag) =	ssettag $0x2  }
0x26: {  	s0 =	rddreg [dreg:$0x0];
	s2 =	stileid.u32  }
0x27: {  	s1 =	rddreg [dreg:$0x1];
	p0 =	sne.s32 s2, $0x0  }
0x28: {  	s3 =	rddreg [dreg:$0x2];
	[bflag:$0x3] =	sbarrier.arrive $0xFFFF;
	s2 =	simm.s32 @!p0 $0x1C02  }
0x29: {  	[timem:s3], [sflag:s2] =	dma.local @!p0 [hbm:s0], s1  }
0x2a: {  	s0 =	simm.s32 @!p0 $0x2  }
0x2b: {  	_ =	swait.ge @!p0 [sflag:s0], s1  }
0x2c: {  	s1 =	ssub.s32 @!p0 $0x0, s1;
	[sflag:s0] =	ssyncset.done @!p0 $0x0  }
0x2d: {  	[sflag:s0] =	ssyncadd.s32 @!p0 s1  }
0x2e: {  	[bflag:$0x3] =	sbarrier.arrive $0xFFFF  }
0x2f: {  	_ =	shalt  }

</sc_bundles>
